<compile_context>
chip_gen: v7x
topology: tpu7x:2x2x1
jax: 0.10.2.dev20260603
libtpu: 0.0.44.dev20260713+nightly
codegen_flags: <defaults>
</compile_context>

<pallas_src>
import jax
import jax.numpy as jnp
from jax import lax
from jax.experimental import pallas as pl
from jax.experimental.pallas import tpu as pltpu, tpu_sc as plsc

VOCAB = 100000
EMBED = 64
PAD_IDX = 0
B, L = 16384, 50
N = B * L

NC, NS, LANES = 2, 16, 16
NW = NC * NS
PER_W = N // NW
CHUNK = 160
ITERS = PER_W // CHUNK
GROUPS = CHUNK // LANES


def _body(vocab_hbm, uniq_hbm, shuf_hbm, table_hbm, out_hbm,
          shuf_v, ui_v0, ui_v1, vi_v0, vi_v1, ridx_v0, ridx_v1,
          mask_v0, mask_v1, rows_v0, rows_v1,
          gsem0, gsem1, isem0, isem1, wsem0, wsem1):
    wid = lax.axis_index("s") * NC + lax.axis_index("c")
    base_w = wid * PER_W

    ui_v = (ui_v0, ui_v1)
    vi_v = (vi_v0, vi_v1)
    ridx_v = (ridx_v0, ridx_v1)
    mask_v = (mask_v0, mask_v1)
    rows_v = (rows_v0, rows_v1)
    gsem = (gsem0, gsem1)
    isem = (isem0, isem1)
    wsem = (wsem0, wsem1)

    pltpu.sync_copy(shuf_hbm, shuf_v)

    def prefetch_idx(i, s):
        base = base_w + i * CHUNK
        pltpu.async_copy(uniq_hbm.at[pl.ds(base, CHUNK)], ui_v[s], isem[s])
        pltpu.async_copy(vocab_hbm.at[pl.ds(base, CHUNK)], vi_v[s], isem[s])

    def compute(i, s):
        base = base_w + i * CHUNK
        pltpu.make_async_copy(uniq_hbm.at[pl.ds(base, CHUNK)], ui_v[s],
                              isem[s]).wait()
        pltpu.make_async_copy(vocab_hbm.at[pl.ds(base, CHUNK)], vi_v[s],
                              isem[s]).wait()

        def grp(g, acc):
            u = ui_v[s][pl.ds(g * LANES, LANES)]
            ridx_v[s][pl.ds(g * LANES, LANES)] = plsc.load_gather(shuf_v, [u])
            is_pad = vi_v[s][pl.ds(g * LANES, LANES)] == PAD_IDX
            mask_v[s][pl.ds(g * LANES, LANES)] = jnp.where(is_pad, 0.0, 1.0)
            return acc + jnp.where(is_pad, 1, 0)

        acc = lax.fori_loop(0, GROUPS, grp, jnp.zeros((LANES,), jnp.int32))
        return lax.reduce_sum(acc, axes=(0,))

    def start_gather(s):
        pltpu.async_copy(table_hbm.at[ridx_v[s]], rows_v[s], gsem[s])

    def wait_gather(s):
        pltpu.make_async_copy(table_hbm.at[ridx_v[s]], rows_v[s],
                              gsem[s]).wait()

    def fixup_and_wb(i, s, pads):
        @pl.when(pads > 0)
        def _fixup():
            def rowfix(r, _):
                m = plsc.load_gather(mask_v[s],
                                     [jnp.full((LANES,), r, jnp.int32)])
                for j in range(EMBED // LANES):
                    sl = pl.ds(j * LANES, LANES)
                    rows_v[s][r, sl] = rows_v[s][r, sl] * m
                return 0
            lax.fori_loop(0, CHUNK, rowfix, 0)

        base = base_w + i * CHUNK
        pltpu.async_copy(rows_v[s], out_hbm.at[pl.ds(base, CHUNK)], wsem[s])

    def wait_wb(i, s):
        base = base_w + i * CHUNK
        pltpu.make_async_copy(rows_v[s], out_hbm.at[pl.ds(base, CHUNK)],
                              wsem[s]).wait()

    prefetch_idx(0, 0)
    pads_a = compute(0, 0)
    start_gather(0)
    prefetch_idx(1, 1)

    pads_b = compute(1, 1)
    prefetch_idx(2, 0)
    wait_gather(0)
    fixup_and_wb(0, 0, pads_a)
    start_gather(1)
    pads_a = compute(2, 0)
    prefetch_idx(3, 1)
    wait_gather(1)
    fixup_and_wb(1, 1, pads_b)
    wait_wb(0, 0)
    start_gather(0)

    def pair(k, pads_a):
        a = 2 * k
        b = a + 1
        pads_b = compute(b, 1)
        prefetch_idx(a + 2, 0)
        wait_gather(0)
        fixup_and_wb(a, 0, pads_a)
        wait_wb(b - 2, 1)
        start_gather(1)
        pads_a2 = compute(a + 2, 0)
        prefetch_idx(b + 2, 1)
        wait_gather(1)
        fixup_and_wb(b, 1, pads_b)
        wait_wb(a, 0)
        start_gather(0)
        return pads_a2

    pads_a = lax.fori_loop(1, ITERS // 2 - 1, pair, pads_a)
    last = ITERS - 1
    pads_b = compute(last, 1)
    wait_gather(0)
    fixup_and_wb(last - 1, 0, pads_a)
    wait_wb(last - 2, 1)
    start_gather(1)
    wait_gather(1)
    fixup_and_wb(last, 1, pads_b)
    wait_wb(last - 1, 0)
    wait_wb(last, 1)


@jax.jit
def _run(vocab_flat, uniq_flat, shuffle, table):
    mesh = plsc.VectorSubcoreMesh(core_axis_name="c", subcore_axis_name="s")
    f = pl.kernel(
        _body,
        out_type=jax.ShapeDtypeStruct((N, EMBED), jnp.float32),
        mesh=mesh,
        compiler_params=pltpu.CompilerParams(needs_layout_passes=False,
                                             use_tc_tiling_on_sc=False),
        scratch_types=[
            pltpu.VMEM((VOCAB,), jnp.int32),
            pltpu.VMEM((CHUNK,), jnp.int32),
            pltpu.VMEM((CHUNK,), jnp.int32),
            pltpu.VMEM((CHUNK,), jnp.int32),
            pltpu.VMEM((CHUNK,), jnp.int32),
            pltpu.VMEM((CHUNK,), jnp.int32),
            pltpu.VMEM((CHUNK,), jnp.int32),
            pltpu.VMEM((CHUNK,), jnp.float32),
            pltpu.VMEM((CHUNK,), jnp.float32),
            pltpu.VMEM((CHUNK, EMBED), jnp.float32),
            pltpu.VMEM((CHUNK, EMBED), jnp.float32),
            pltpu.SemaphoreType.DMA,
            pltpu.SemaphoreType.DMA,
            pltpu.SemaphoreType.DMA,
            pltpu.SemaphoreType.DMA,
            pltpu.SemaphoreType.DMA,
            pltpu.SemaphoreType.DMA,
        ],
    )
    return f(vocab_flat, uniq_flat, shuffle, table)


def kernel(vocab_word_idx, batch_unique_word_idx,
           obfuscation_vocab_random_indices_shuffle,
           obfuscation_embedding_table):
    out = _run(vocab_word_idx.reshape(N),
               batch_unique_word_idx.reshape(N),
               obfuscation_vocab_random_indices_shuffle,
               obfuscation_embedding_table)
    return out.reshape(B, L, EMBED)

# --- scband reference (transcript-rebuilt; emitter-appended) ---
"""Pipeline reference for scband-embedding-with-obfuscation-76940044140928 (READ-ONLY COPY).

The authoritative reference and input builder live on the scoring server;
editing this copy changes nothing except your own understanding.
"""

import jax, jax.numpy as jnp
import numpy as np

VOCAB = 100000
EMBED = 64
PAD_IDX = 0
B, L = 16384, 50
NR_OBF_WORDS = VOCAB


def setup_inputs(seed: int = 0) -> dict:
    key = jax.random.key(seed)
    k1, k2, k3, k4 = jax.random.split(key, 4)
    vocab_word_idx = jax.random.randint(k1, (B, L), 0, VOCAB, dtype=jnp.int32)
    batch_unique_word_idx = jax.random.randint(k2, (B, L), 0, VOCAB, dtype=jnp.int32)
    obfuscation_vocab_random_indices_shuffle = jax.random.randint(
        k3, (VOCAB,), 0, VOCAB, dtype=jnp.int32
    )
    # learnable obfuscation embedding table (nn.Embedding weight)
    obfuscation_embedding_table = (
        jax.random.normal(k4, (NR_OBF_WORDS, EMBED), dtype=jnp.float32)
    )
    return {
        "vocab_word_idx": vocab_word_idx,
        "batch_unique_word_idx": batch_unique_word_idx,
        "obfuscation_vocab_random_indices_shuffle": obfuscation_vocab_random_indices_shuffle,
        "obfuscation_embedding_table": obfuscation_embedding_table,
    }


def reference(
    vocab_word_idx,
    batch_unique_word_idx,
    obfuscation_vocab_random_indices_shuffle,
    obfuscation_embedding_table,
):
    # obfuscation_type == 'replace_all', obfuscation_embeddings_type == 'learnable'
    # words_obfuscated_indices = shuffle[batch_unique_word_idx] % nr_obfuscation_words
    words_obfuscated_indices = jnp.take(
        obfuscation_vocab_random_indices_shuffle, batch_unique_word_idx, axis=0
    )
    words_obfuscated_indices = words_obfuscated_indices % NR_OBF_WORDS
    # embedding gather (dropout p=0.0 -> identity in eval)
    obfuscation_words_embeddings = jnp.take(
        obfuscation_embedding_table, words_obfuscated_indices, axis=0
    )
    # pad mask from vocab_word_idx (padding_idx = <PAD> = 0)
    pad_mask = (vocab_word_idx == PAD_IDX)[..., None]
    final_words_embeddings = jnp.where(
        pad_mask, jnp.zeros_like(obfuscation_words_embeddings), obfuscation_words_embeddings
    )
    return final_words_embeddings

if __name__ == "__main__":
    import jax
    _d = setup_inputs()
    print(jax.jit(kernel)(*tuple(_d.values())))

</pallas_src>

<mosaic_0001>
#map = affine_map<(d0, d1) -> (0)>
#map1 = affine_map<(d0, d1) -> (0, 0)>
module attributes {stable_mosaic.version = 14 : i64} {
  func.func @_body(%arg0: i32, %arg1: i32, %arg2: memref<819200xi32, #tpu.memory_space<hbm>>, %arg3: memref<819200xi32, #tpu.memory_space<hbm>>, %arg4: memref<100000xi32, #tpu.memory_space<hbm>>, %arg5: memref<100000x64xf32, #tpu.memory_space<hbm>>, %arg6: memref<819200x64xf32, #tpu.memory_space<hbm>>, %arg7: memref<100000xi32, #tpu.memory_space<vmem>>, %arg8: memref<160xi32, #tpu.memory_space<vmem>>, %arg9: memref<160xi32, #tpu.memory_space<vmem>>, %arg10: memref<160xi32, #tpu.memory_space<vmem>>, %arg11: memref<160xi32, #tpu.memory_space<vmem>>, %arg12: memref<160xi32, #tpu.memory_space<vmem>>, %arg13: memref<160xi32, #tpu.memory_space<vmem>>, %arg14: memref<160xf32, #tpu.memory_space<vmem>>, %arg15: memref<160xf32, #tpu.memory_space<vmem>>, %arg16: memref<160x64xf32, #tpu.memory_space<vmem>>, %arg17: memref<160x64xf32, #tpu.memory_space<vmem>>, %arg18: memref<!tpu.dma_semaphore, #tpu.memory_space<semaphore_mem>>, %arg19: memref<!tpu.dma_semaphore, #tpu.memory_space<semaphore_mem>>, %arg20: memref<!tpu.dma_semaphore, #tpu.memory_space<semaphore_mem>>, %arg21: memref<!tpu.dma_semaphore, #tpu.memory_space<semaphore_mem>>, %arg22: memref<!tpu.dma_semaphore, #tpu.memory_space<semaphore_mem>>, %arg23: memref<!tpu.dma_semaphore, #tpu.memory_space<semaphore_mem>>) attributes {dimension_semantics = [#tpu.dimension_semantics<core_parallel>, #tpu.dimension_semantics<subcore_parallel>], iteration_bounds = array<i64: 2, 16>, scalar_prefetch = 0 : i64, scratch_operands = 17 : i64, tpu.core_type = #tpu.core_type<sc_vector_subcore>, window_params = [{transform_indices = #map}, {transform_indices = #map}, {transform_indices = #map}, {transform_indices = #map1}, {transform_indices = #map1}]} {
    %mul3A = arith.constant 2 : i32
    %mul3A_0 = arith.muli %arg1, %mul3A : i32
    %add3A = arith.addi %mul3A_0, %arg0 : i32
    %mul3A_1 = arith.constant 25600 : i32
    %mul3A_2 = arith.muli %add3A, %mul3A_1 : i32
    "tpu.region"() ({
      %run_scoped3A = tpu.sem_alloc : memref<!tpu.dma_semaphore, #tpu.memory_space<semaphore_mem>>
      tpu.enqueue_dma source(%arg4 : memref<100000xi32, #tpu.memory_space<hbm>>) target(%arg7 : memref<100000xi32, #tpu.memory_space<vmem>>) target_semaphore(%run_scoped3A : memref<!tpu.dma_semaphore, #tpu.memory_space<semaphore_mem>>)
      tpu.wait_dma2 semaphore(%run_scoped3A : memref<!tpu.dma_semaphore, #tpu.memory_space<semaphore_mem>>) src(%arg4 : memref<100000xi32, #tpu.memory_space<hbm>>) dst(%arg7 : memref<100000xi32, #tpu.memory_space<vmem>>)
      tpu.yield
    }) : () -> ()
    %add3A_3 = arith.constant 0 : i32
    %add3A_4 = arith.addi %mul3A_2, %add3A_3 : i32
    %dma_start3A = tpu.memref_slice %arg3[%add3A_4] : memref<819200xi32, #tpu.memory_space<hbm>> -> memref<160xi32, #tpu.memory_space<hbm>>
    %dma_start3A_5 = tpu.memref_slice %arg3[%add3A_4] : memref<819200xi32, #tpu.memory_space<hbm>> -> memref<160xi32, #tpu.memory_space<hbm>>
    tpu.enqueue_dma source(%dma_start3A_5 : memref<160xi32, #tpu.memory_space<hbm>>) target(%arg8 : memref<160xi32, #tpu.memory_space<vmem>>) target_semaphore(%arg20 : memref<!tpu.dma_semaphore, #tpu.memory_space<semaphore_mem>>)
    %dma_start3A_6 = tpu.memref_slice %arg2[%add3A_4] : memref<819200xi32, #tpu.memory_space<hbm>> -> memref<160xi32, #tpu.memory_space<hbm>>
    %dma_start3A_7 = tpu.memref_slice %arg2[%add3A_4] : memref<819200xi32, #tpu.memory_space<hbm>> -> memref<160xi32, #tpu.memory_space<hbm>>
    tpu.enqueue_dma source(%dma_start3A_7 : memref<160xi32, #tpu.memory_space<hbm>>) target(%arg10 : memref<160xi32, #tpu.memory_space<vmem>>) target_semaphore(%arg20 : memref<!tpu.dma_semaphore, #tpu.memory_space<semaphore_mem>>)
    %add3A_8 = arith.constant 0 : i32
    %add3A_9 = arith.addi %mul3A_2, %add3A_8 : i32
    %dma_wait3A = tpu.memref_slice %arg3[%add3A_9] : memref<819200xi32, #tpu.memory_space<hbm>> -> memref<160xi32, #tpu.memory_space<hbm>>
    %dma_wait3A_10 = tpu.memref_slice %arg3[%add3A_9] : memref<819200xi32, #tpu.memory_space<hbm>> -> memref<160xi32, #tpu.memory_space<hbm>>
    tpu.wait_dma2 semaphore(%arg20 : memref<!tpu.dma_semaphore, #tpu.memory_space<semaphore_mem>>) src(%dma_wait3A_10 : memref<160xi32, #tpu.memory_space<hbm>>) dst(%arg8 : memref<160xi32, #tpu.memory_space<vmem>>)
    %dma_wait3A_11 = tpu.memref_slice %arg2[%add3A_9] : memref<819200xi32, #tpu.memory_space<hbm>> -> memref<160xi32, #tpu.memory_space<hbm>>
    %dma_wait3A_12 = tpu.memref_slice %arg2[%add3A_9] : memref<819200xi32, #tpu.memory_space<hbm>> -> memref<160xi32, #tpu.memory_space<hbm>>
    tpu.wait_dma2 semaphore(%arg20 : memref<!tpu.dma_semaphore, #tpu.memory_space<semaphore_mem>>) src(%dma_wait3A_12 : memref<160xi32, #tpu.memory_space<hbm>>) dst(%arg10 : memref<160xi32, #tpu.memory_space<vmem>>)
    %broadcast_in_dim3A = arith.constant 0 : i32
    %broadcast_in_dim3A_13 = vector.broadcast %broadcast_in_dim3A : i32 to vector<16xi32>
    %scan3A = arith.constant 0 : i32
    %scan3A_14 = arith.constant 10 : i32
    %scan3A_15 = arith.addi %scan3A, %scan3A_14 : i32
    %scan3A_16 = arith.constant 1 : i32
    %scan3A_17 = scf.for %scan3A_189 = %scan3A to %scan3A_15 step %scan3A_16 iter_args(%scan3A_190 = %broadcast_in_dim3A_13) -> (vector<16xi32>)  : i32 {
      %mul3A_191 = arith.constant 16 : i32
      %mul3A_192 = arith.muli %scan3A_189, %mul3A_191 : i32
      %get3A = arith.index_cast %mul3A_192 : i32 to index
      %get3A_193 = tpu.vector_load %arg8[%get3A] {strides = array<i32>} : memref<160xi32, #tpu.memory_space<vmem>>, vector<16xi32>,
      %gather3A = tpu.vector_load_idx %arg7[%get3A_193] : memref<100000xi32, #tpu.memory_space<vmem>>[vector<16xi32>], vector<16xi32>,
      %mul3A_194 = arith.constant 16 : i32
      %mul3A_195 = arith.muli %scan3A_189, %mul3A_194 : i32
      %swap3A = arith.index_cast %mul3A_195 : i32 to index
      %swap3A_196 = tpu.vector_load %arg12[%swap3A] {strides = array<i32>} : memref<160xi32, #tpu.memory_space<vmem>>, vector<16xi32>,
      tpu.vector_store %arg12[%swap3A], %gather3A {strides = array<i32>} : memref<160xi32, #tpu.memory_space<vmem>>, vector<16xi32>,
      %mul3A_197 = arith.constant 16 : i32
      %mul3A_198 = arith.muli %scan3A_189, %mul3A_197 : i32
      %get3A_199 = arith.index_cast %mul3A_198 : i32 to index
      %get3A_200 = tpu.vector_load %arg10[%get3A_199] {strides = array<i32>} : memref<160xi32, #tpu.memory_space<vmem>>, vector<16xi32>,
      %eq3A = arith.constant 0 : i32
      %eq3A_201 = vector.broadcast %eq3A : i32 to vector<16xi32>
      %eq3A_202 = arith.cmpi eq, %get3A_200, %eq3A_201 : vector<16xi32>
      %jit3A = arith.constant 0.000000e+00 : f32
      %jit3A_203 = arith.constant 1.000000e+00 : f32
      %broadcast_in_dim3A_204 = vector.broadcast %jit3A : f32 to vector<16xf32>
      %broadcast_in_dim3A_205 = vector.broadcast %jit3A_203 : f32 to vector<16xf32>
      %select_n3A = arith.select %eq3A_202, %broadcast_in_dim3A_204, %broadcast_in_dim3A_205 : vector<16xi1>, vector<16xf32>
      %mul3A_206 = arith.constant 16 : i32
      %mul3A_207 = arith.muli %scan3A_189, %mul3A_206 : i32
      %swap3A_208 = arith.index_cast %mul3A_207 : i32 to index
      %swap3A_209 = tpu.vector_load %arg14[%swap3A_208] {strides = array<i32>} : memref<160xf32, #tpu.memory_space<vmem>>, vector<16xf32>,
      tpu.vector_store %arg14[%swap3A_208], %select_n3A {strides = array<i32>} : memref<160xf32, #tpu.memory_space<vmem>>, vector<16xf32>,
      %jit3A_210 = arith.constant 1 : i32
      %jit3A_211 = arith.constant 0 : i32
      %broadcast_in_dim3A_212 = vector.broadcast %jit3A_210 : i32 to vector<16xi32>
      %broadcast_in_dim3A_213 = vector.broadcast %jit3A_211 : i32 to vector<16xi32>
      %select_n3A_214 = arith.select %eq3A_202, %broadcast_in_dim3A_212, %broadcast_in_dim3A_213 : vector<16xi1>, vector<16xi32>
      %add3A_215 = arith.addi %scan3A_190, %select_n3A_214 : vector<16xi32>
      scf.yield %add3A_215 : vector<16xi32>
    }
    %scan3A_18 = arith.constant 10 : i32
    %reduce_sum3A = arith.constant true
    %reduce_sum3A_19 = vector.broadcast %reduce_sum3A : i1 to vector<16xi1>
    %reduce_sum3A_20 = tpu.scan <sum>, %scan3A_17 masked %reduce_sum3A_19 : vector<16xi32>, vector<16xi1> -> vector<16xi32>
    %reduce_sum3A_21 = vector.extract %reduce_sum3A_20[15] : i32 from vector<16xi32>
    %dma_start3A_22 = arith.constant 0 : i32
    %dma_start3A_23 = arith.constant 0 : i32
    %dma_start3A_24 = tpu.memref_slice %arg5[%dma_start3A_22, %dma_start3A_23] : memref<100000x64xf32, #tpu.memory_space<hbm>> -> memref<100000x64xf32, #tpu.memory_space<hbm>>
    tpu.enqueue_indirect_dma source(%dma_start3A_24 : memref<100000x64xf32, #tpu.memory_space<hbm>>) target(%arg16 : memref<160x64xf32, #tpu.memory_space<vmem>>) offsets(%arg12 : memref<160xi32, #tpu.memory_space<vmem>>) semaphore(%arg18 : memref<!tpu.dma_semaphore, #tpu.memory_space<semaphore_mem>>)
    %add3A_25 = arith.constant 160 : i32
    %add3A_26 = arith.addi %mul3A_2, %add3A_25 : i32
    %dma_start3A_27 = tpu.memref_slice %arg3[%add3A_26] : memref<819200xi32, #tpu.memory_space<hbm>> -> memref<160xi32, #tpu.memory_space<hbm>>
    %dma_start3A_28 = tpu.memref_slice %arg3[%add3A_26] : memref<819200xi32, #tpu.memory_space<hbm>> -> memref<160xi32, #tpu.memory_space<hbm>>
    tpu.enqueue_dma source(%dma_start3A_28 : memref<160xi32, #tpu.memory_space<hbm>>) target(%arg9 : memref<160xi32, #tpu.memory_space<vmem>>) target_semaphore(%arg21 : memref<!tpu.dma_semaphore, #tpu.memory_space<semaphore_mem>>)
    %dma_start3A_29 = tpu.memref_slice %arg2[%add3A_26] : memref<819200xi32, #tpu.memory_space<hbm>> -> memref<160xi32, #tpu.memory_space<hbm>>
    %dma_start3A_30 = tpu.memref_slice %arg2[%add3A_26] : memref<819200xi32, #tpu.memory_space<hbm>> -> memref<160xi32, #tpu.memory_space<hbm>>
    tpu.enqueue_dma source(%dma_start3A_30 : memref<160xi32, #tpu.memory_space<hbm>>) target(%arg11 : memref<160xi32, #tpu.memory_space<vmem>>) target_semaphore(%arg21 : memref<!tpu.dma_semaphore, #tpu.memory_space<semaphore_mem>>)
    %add3A_31 = arith.constant 160 : i32
    %add3A_32 = arith.addi %mul3A_2, %add3A_31 : i32
    %dma_wait3A_33 = tpu.memref_slice %arg3[%add3A_32] : memref<819200xi32, #tpu.memory_space<hbm>> -> memref<160xi32, #tpu.memory_space<hbm>>
    %dma_wait3A_34 = tpu.memref_slice %arg3[%add3A_32] : memref<819200xi32, #tpu.memory_space<hbm>> -> memref<160xi32, #tpu.memory_space<hbm>>
    tpu.wait_dma2 semaphore(%arg21 : memref<!tpu.dma_semaphore, #tpu.memory_space<semaphore_mem>>) src(%dma_wait3A_34 : memref<160xi32, #tpu.memory_space<hbm>>) dst(%arg9 : memref<160xi32, #tpu.memory_space<vmem>>)
    %dma_wait3A_35 = tpu.memref_slice %arg2[%add3A_32] : memref<819200xi32, #tpu.memory_space<hbm>> -> memref<160xi32, #tpu.memory_space<hbm>>
    %dma_wait3A_36 = tpu.memref_slice %arg2[%add3A_32] : memref<819200xi32, #tpu.memory_space<hbm>> -> memref<160xi32, #tpu.memory_space<hbm>>
    tpu.wait_dma2 semaphore(%arg21 : memref<!tpu.dma_semaphore, #tpu.memory_space<semaphore_mem>>) src(%dma_wait3A_36 : memref<160xi32, #tpu.memory_space<hbm>>) dst(%arg11 : memref<160xi32, #tpu.memory_space<vmem>>)
    %broadcast_in_dim3A_37 = arith.constant 0 : i32
    %broadcast_in_dim3A_38 = vector.broadcast %broadcast_in_dim3A_37 : i32 to vector<16xi32>
    %scan3A_39 = arith.constant 0 : i32
    %scan3A_40 = arith.constant 10 : i32
    %scan3A_41 = arith.addi %scan3A_39, %scan3A_40 : i32
    %scan3A_42 = arith.constant 1 : i32
    %scan3A_43 = scf.for %scan3A_189 = %scan3A_39 to %scan3A_41 step %scan3A_42 iter_args(%scan3A_190 = %broadcast_in_dim3A_38) -> (vector<16xi32>)  : i32 {
      %mul3A_191 = arith.constant 16 : i32
      %mul3A_192 = arith.muli %scan3A_189, %mul3A_191 : i32
      %get3A = arith.index_cast %mul3A_192 : i32 to index
      %get3A_193 = tpu.vector_load %arg9[%get3A] {strides = array<i32>} : memref<160xi32, #tpu.memory_space<vmem>>, vector<16xi32>,
      %gather3A = tpu.vector_load_idx %arg7[%get3A_193] : memref<100000xi32, #tpu.memory_space<vmem>>[vector<16xi32>], vector<16xi32>,
      %mul3A_194 = arith.constant 16 : i32
      %mul3A_195 = arith.muli %scan3A_189, %mul3A_194 : i32
      %swap3A = arith.index_cast %mul3A_195 : i32 to index
      %swap3A_196 = tpu.vector_load %arg13[%swap3A] {strides = array<i32>} : memref<160xi32, #tpu.memory_space<vmem>>, vector<16xi32>,
      tpu.vector_store %arg13[%swap3A], %gather3A {strides = array<i32>} : memref<160xi32, #tpu.memory_space<vmem>>, vector<16xi32>,
      %mul3A_197 = arith.constant 16 : i32
      %mul3A_198 = arith.muli %scan3A_189, %mul3A_197 : i32
      %get3A_199 = arith.index_cast %mul3A_198 : i32 to index
      %get3A_200 = tpu.vector_load %arg11[%get3A_199] {strides = array<i32>} : memref<160xi32, #tpu.memory_space<vmem>>, vector<16xi32>,
      %eq3A = arith.constant 0 : i32
      %eq3A_201 = vector.broadcast %eq3A : i32 to vector<16xi32>
      %eq3A_202 = arith.cmpi eq, %get3A_200, %eq3A_201 : vector<16xi32>
      %jit3A = arith.constant 0.000000e+00 : f32
      %jit3A_203 = arith.constant 1.000000e+00 : f32
      %broadcast_in_dim3A_204 = vector.broadcast %jit3A : f32 to vector<16xf32>
      %broadcast_in_dim3A_205 = vector.broadcast %jit3A_203 : f32 to vector<16xf32>
      %select_n3A = arith.select %eq3A_202, %broadcast_in_dim3A_204, %broadcast_in_dim3A_205 : vector<16xi1>, vector<16xf32>
      %mul3A_206 = arith.constant 16 : i32
      %mul3A_207 = arith.muli %scan3A_189, %mul3A_206 : i32
      %swap3A_208 = arith.index_cast %mul3A_207 : i32 to index
      %swap3A_209 = tpu.vector_load %arg15[%swap3A_208] {strides = array<i32>} : memref<160xf32, #tpu.memory_space<vmem>>, vector<16xf32>,
      tpu.vector_store %arg15[%swap3A_208], %select_n3A {strides = array<i32>} : memref<160xf32, #tpu.memory_space<vmem>>, vector<16xf32>,
      %jit3A_210 = arith.constant 1 : i32
      %jit3A_211 = arith.constant 0 : i32
      %broadcast_in_dim3A_212 = vector.broadcast %jit3A_210 : i32 to vector<16xi32>
      %broadcast_in_dim3A_213 = vector.broadcast %jit3A_211 : i32 to vector<16xi32>
      %select_n3A_214 = arith.select %eq3A_202, %broadcast_in_dim3A_212, %broadcast_in_dim3A_213 : vector<16xi1>, vector<16xi32>
      %add3A_215 = arith.addi %scan3A_190, %select_n3A_214 : vector<16xi32>
      scf.yield %add3A_215 : vector<16xi32>
    }
    %scan3A_44 = arith.constant 10 : i32
    %reduce_sum3A_45 = arith.constant true
    %reduce_sum3A_46 = vector.broadcast %reduce_sum3A_45 : i1 to vector<16xi1>
    %reduce_sum3A_47 = tpu.scan <sum>, %scan3A_43 masked %reduce_sum3A_46 : vector<16xi32>, vector<16xi1> -> vector<16xi32>
    %reduce_sum3A_48 = vector.extract %reduce_sum3A_47[15] : i32 from vector<16xi32>
    %add3A_49 = arith.constant 320 : i32
    %add3A_50 = arith.addi %mul3A_2, %add3A_49 : i32
    %dma_start3A_51 = tpu.memref_slice %arg3[%add3A_50] : memref<819200xi32, #tpu.memory_space<hbm>> -> memref<160xi32, #tpu.memory_space<hbm>>
    %dma_start3A_52 = tpu.memref_slice %arg3[%add3A_50] : memref<819200xi32, #tpu.memory_space<hbm>> -> memref<160xi32, #tpu.memory_space<hbm>>
    tpu.enqueue_dma source(%dma_start3A_52 : memref<160xi32, #tpu.memory_space<hbm>>) target(%arg8 : memref<160xi32, #tpu.memory_space<vmem>>) target_semaphore(%arg20 : memref<!tpu.dma_semaphore, #tpu.memory_space<semaphore_mem>>)
    %dma_start3A_53 = tpu.memref_slice %arg2[%add3A_50] : memref<819200xi32, #tpu.memory_space<hbm>> -> memref<160xi32, #tpu.memory_space<hbm>>
    %dma_start3A_54 = tpu.memref_slice %arg2[%add3A_50] : memref<819200xi32, #tpu.memory_space<hbm>> -> memref<160xi32, #tpu.memory_space<hbm>>
    tpu.enqueue_dma source(%dma_start3A_54 : memref<160xi32, #tpu.memory_space<hbm>>) target(%arg10 : memref<160xi32, #tpu.memory_space<vmem>>) target_semaphore(%arg20 : memref<!tpu.dma_semaphore, #tpu.memory_space<semaphore_mem>>)
    %dma_wait3A_55 = arith.constant 0 : i32
    %dma_wait3A_56 = arith.constant 0 : i32
    %dma_wait3A_57 = tpu.memref_slice %arg5[%dma_wait3A_55, %dma_wait3A_56] : memref<100000x64xf32, #tpu.memory_space<hbm>> -> memref<100000x64xf32, #tpu.memory_space<hbm>>
    tpu.wait_indirect_dma semaphore(%arg18 : memref<!tpu.dma_semaphore, #tpu.memory_space<semaphore_mem>>) src(%dma_wait3A_57 : memref<100000x64xf32, #tpu.memory_space<hbm>>) dst(%arg16 : memref<160x64xf32, #tpu.memory_space<vmem>>)
    %gt3A = arith.constant 0 : i32
    %gt3A_58 = arith.cmpi sgt, %reduce_sum3A_21, %gt3A : i32
    %convert_element_type3A = arith.extui %gt3A_58 : i1 to i32
    %cond3A = arith.constant 0 : i32
    %cond3A_59 = arith.cmpi ne, %convert_element_type3A, %cond3A : i32
    scf.if %cond3A_59 {
      %scan3A_189 = arith.constant 0 : i32
      %scan3A_190 = arith.constant 0 : i32
      %scan3A_191 = arith.constant 160 : i32
      %scan3A_192 = arith.addi %scan3A_190, %scan3A_191 : i32
      %scan3A_193 = arith.constant 1 : i32
      %scan3A_194 = scf.for %scan3A_196 = %scan3A_190 to %scan3A_192 step %scan3A_193 iter_args(%scan3A_197 = %scan3A_189) -> (i32)  : i32 {
        %broadcast_in_dim3A_198 = vector.broadcast %scan3A_196 : i32 to vector<16xi32>
        %gather3A = tpu.vector_load_idx %arg14[%broadcast_in_dim3A_198] : memref<160xf32, #tpu.memory_space<vmem>>[vector<16xi32>], vector<16xf32>,
        %get3A = arith.index_cast %scan3A_196 : i32 to index
        %get3A_199 = arith.constant 0 : index
        %get3A_200 = tpu.vector_load %arg16[%get3A, %get3A_199] {strides = array<i32>} : memref<160x64xf32, #tpu.memory_space<vmem>>, vector<16xf32>,
        %mul3A_201 = arith.mulf %get3A_200, %gather3A : vector<16xf32>
        %swap3A = arith.index_cast %scan3A_196 : i32 to index
        %swap3A_202 = arith.constant 0 : index
        %swap3A_203 = tpu.vector_load %arg16[%swap3A, %swap3A_202] {strides = array<i32>} : memref<160x64xf32, #tpu.memory_space<vmem>>, vector<16xf32>,
        tpu.vector_store %arg16[%swap3A, %swap3A_202], %mul3A_201 {strides = array<i32>} : memref<160x64xf32, #tpu.memory_space<vmem>>, vector<16xf32>,
        %get3A_204 = arith.index_cast %scan3A_196 : i32 to index
        %get3A_205 = arith.constant 16 : index
        %get3A_206 = tpu.vector_load %arg16[%get3A_204, %get3A_205] {strides = array<i32>} : memref<160x64xf32, #tpu.memory_space<vmem>>, vector<16xf32>,
        %mul3A_207 = arith.mulf %get3A_206, %gather3A : vector<16xf32>
        %swap3A_208 = arith.index_cast %scan3A_196 : i32 to index
        %swap3A_209 = arith.constant 16 : index
        %swap3A_210 = tpu.vector_load %arg16[%swap3A_208, %swap3A_209] {strides = array<i32>} : memref<160x64xf32, #tpu.memory_space<vmem>>, vector<16xf32>,
        tpu.vector_store %arg16[%swap3A_208, %swap3A_209], %mul3A_207 {strides = array<i32>} : memref<160x64xf32, #tpu.memory_space<vmem>>, vector<16xf32>,
        %get3A_211 = arith.index_cast %scan3A_196 : i32 to index
        %get3A_212 = arith.constant 32 : index
        %get3A_213 = tpu.vector_load %arg16[%get3A_211, %get3A_212] {strides = array<i32>} : memref<160x64xf32, #tpu.memory_space<vmem>>, vector<16xf32>,
        %mul3A_214 = arith.mulf %get3A_213, %gather3A : vector<16xf32>
        %swap3A_215 = arith.index_cast %scan3A_196 : i32 to index
        %swap3A_216 = arith.constant 32 : index
        %swap3A_217 = tpu.vector_load %arg16[%swap3A_215, %swap3A_216] {strides = array<i32>} : memref<160x64xf32, #tpu.memory_space<vmem>>, vector<16xf32>,
        tpu.vector_store %arg16[%swap3A_215, %swap3A_216], %mul3A_214 {strides = array<i32>} : memref<160x64xf32, #tpu.memory_space<vmem>>, vector<16xf32>,
        %get3A_218 = arith.index_cast %scan3A_196 : i32 to index
        %get3A_219 = arith.constant 48 : index
        %get3A_220 = tpu.vector_load %arg16[%get3A_218, %get3A_219] {strides = array<i32>} : memref<160x64xf32, #tpu.memory_space<vmem>>, vector<16xf32>,
        %mul3A_221 = arith.mulf %get3A_220, %gather3A : vector<16xf32>
        %swap3A_222 = arith.index_cast %scan3A_196 : i32 to index
        %swap3A_223 = arith.constant 48 : index
        %swap3A_224 = tpu.vector_load %arg16[%swap3A_222, %swap3A_223] {strides = array<i32>} : memref<160x64xf32, #tpu.memory_space<vmem>>, vector<16xf32>,
        tpu.vector_store %arg16[%swap3A_222, %swap3A_223], %mul3A_221 {strides = array<i32>} : memref<160x64xf32, #tpu.memory_space<vmem>>, vector<16xf32>,
        %scan3A_225 = arith.constant 0 : i32
        scf.yield %scan3A_225 : i32
      }
      %scan3A_195 = arith.constant 160 : i32
    } else {
    }
    %add3A_60 = arith.constant 0 : i32
    %add3A_61 = arith.addi %mul3A_2, %add3A_60 : i32
    %dma_start3A_62 = arith.constant 0 : i32
    %dma_start3A_63 = tpu.memref_slice %arg6[%add3A_61, %dma_start3A_62] : memref<819200x64xf32, #tpu.memory_space<hbm>> -> memref<160x64xf32, #tpu.memory_space<hbm>>
    %dma_start3A_64 = arith.constant 0 : i32
    %dma_start3A_65 = tpu.memref_slice %arg6[%add3A_61, %dma_start3A_64] : memref<819200x64xf32, #tpu.memory_space<hbm>> -> memref<160x64xf32, #tpu.memory_space<hbm>>
    tpu.enqueue_dma source(%arg16 : memref<160x64xf32, #tpu.memory_space<vmem>>) target(%dma_start3A_65 : memref<160x64xf32, #tpu.memory_space<hbm>>) target_semaphore(%arg22 : memref<!tpu.dma_semaphore, #tpu.memory_space<semaphore_mem>>)
    %dma_start3A_66 = arith.constant 0 : i32
    %dma_start3A_67 = arith.constant 0 : i32
    %dma_start3A_68 = tpu.memref_slice %arg5[%dma_start3A_66, %dma_start3A_67] : memref<100000x64xf32, #tpu.memory_space<hbm>> -> memref<100000x64xf32, #tpu.memory_space<hbm>>
    tpu.enqueue_indirect_dma source(%dma_start3A_68 : memref<100000x64xf32, #tpu.memory_space<hbm>>) target(%arg17 : memref<160x64xf32, #tpu.memory_space<vmem>>) offsets(%arg13 : memref<160xi32, #tpu.memory_space<vmem>>) semaphore(%arg19 : memref<!tpu.dma_semaphore, #tpu.memory_space<semaphore_mem>>)
    %add3A_69 = arith.constant 320 : i32
    %add3A_70 = arith.addi %mul3A_2, %add3A_69 : i32
    %dma_wait3A_71 = tpu.memref_slice %arg3[%add3A_70] : memref<819200xi32, #tpu.memory_space<hbm>> -> memref<160xi32, #tpu.memory_space<hbm>>
    %dma_wait3A_72 = tpu.memref_slice %arg3[%add3A_70] : memref<819200xi32, #tpu.memory_space<hbm>> -> memref<160xi32, #tpu.memory_space<hbm>>
    tpu.wait_dma2 semaphore(%arg20 : memref<!tpu.dma_semaphore, #tpu.memory_space<semaphore_mem>>) src(%dma_wait3A_72 : memref<160xi32, #tpu.memory_space<hbm>>) dst(%arg8 : memref<160xi32, #tpu.memory_space<vmem>>)
    %dma_wait3A_73 = tpu.memref_slice %arg2[%add3A_70] : memref<819200xi32, #tpu.memory_space<hbm>> -> memref<160xi32, #tpu.memory_space<hbm>>
    %dma_wait3A_74 = tpu.memref_slice %arg2[%add3A_70] : memref<819200xi32, #tpu.memory_space<hbm>> -> memref<160xi32, #tpu.memory_space<hbm>>
    tpu.wait_dma2 semaphore(%arg20 : memref<!tpu.dma_semaphore, #tpu.memory_space<semaphore_mem>>) src(%dma_wait3A_74 : memref<160xi32, #tpu.memory_space<hbm>>) dst(%arg10 : memref<160xi32, #tpu.memory_space<vmem>>)
    %broadcast_in_dim3A_75 = arith.constant 0 : i32
    %broadcast_in_dim3A_76 = vector.broadcast %broadcast_in_dim3A_75 : i32 to vector<16xi32>
    %scan3A_77 = arith.constant 0 : i32
    %scan3A_78 = arith.constant 10 : i32
    %scan3A_79 = arith.addi %scan3A_77, %scan3A_78 : i32
    %scan3A_80 = arith.constant 1 : i32
    %scan3A_81 = scf.for %scan3A_189 = %scan3A_77 to %scan3A_79 step %scan3A_80 iter_args(%scan3A_190 = %broadcast_in_dim3A_76) -> (vector<16xi32>)  : i32 {
      %mul3A_191 = arith.constant 16 : i32
      %mul3A_192 = arith.muli %scan3A_189, %mul3A_191 : i32
      %get3A = arith.index_cast %mul3A_192 : i32 to index
      %get3A_193 = tpu.vector_load %arg8[%get3A] {strides = array<i32>} : memref<160xi32, #tpu.memory_space<vmem>>, vector<16xi32>,
      %gather3A = tpu.vector_load_idx %arg7[%get3A_193] : memref<100000xi32, #tpu.memory_space<vmem>>[vector<16xi32>], vector<16xi32>,
      %mul3A_194 = arith.constant 16 : i32
      %mul3A_195 = arith.muli %scan3A_189, %mul3A_194 : i32
      %swap3A = arith.index_cast %mul3A_195 : i32 to index
      %swap3A_196 = tpu.vector_load %arg12[%swap3A] {strides = array<i32>} : memref<160xi32, #tpu.memory_space<vmem>>, vector<16xi32>,
      tpu.vector_store %arg12[%swap3A], %gather3A {strides = array<i32>} : memref<160xi32, #tpu.memory_space<vmem>>, vector<16xi32>,
      %mul3A_197 = arith.constant 16 : i32
      %mul3A_198 = arith.muli %scan3A_189, %mul3A_197 : i32
      %get3A_199 = arith.index_cast %mul3A_198 : i32 to index
      %get3A_200 = tpu.vector_load %arg10[%get3A_199] {strides = array<i32>} : memref<160xi32, #tpu.memory_space<vmem>>, vector<16xi32>,
      %eq3A = arith.constant 0 : i32
      %eq3A_201 = vector.broadcast %eq3A : i32 to vector<16xi32>
      %eq3A_202 = arith.cmpi eq, %get3A_200, %eq3A_201 : vector<16xi32>
      %jit3A = arith.constant 0.000000e+00 : f32
      %jit3A_203 = arith.constant 1.000000e+00 : f32
      %broadcast_in_dim3A_204 = vector.broadcast %jit3A : f32 to vector<16xf32>
      %broadcast_in_dim3A_205 = vector.broadcast %jit3A_203 : f32 to vector<16xf32>
      %select_n3A = arith.select %eq3A_202, %broadcast_in_dim3A_204, %broadcast_in_dim3A_205 : vector<16xi1>, vector<16xf32>
      %mul3A_206 = arith.constant 16 : i32
      %mul3A_207 = arith.muli %scan3A_189, %mul3A_206 : i32
      %swap3A_208 = arith.index_cast %mul3A_207 : i32 to index
      %swap3A_209 = tpu.vector_load %arg14[%swap3A_208] {strides = array<i32>} : memref<160xf32, #tpu.memory_space<vmem>>, vector<16xf32>,
      tpu.vector_store %arg14[%swap3A_208], %select_n3A {strides = array<i32>} : memref<160xf32, #tpu.memory_space<vmem>>, vector<16xf32>,
      %jit3A_210 = arith.constant 1 : i32
      %jit3A_211 = arith.constant 0 : i32
      %broadcast_in_dim3A_212 = vector.broadcast %jit3A_210 : i32 to vector<16xi32>
      %broadcast_in_dim3A_213 = vector.broadcast %jit3A_211 : i32 to vector<16xi32>
      %select_n3A_214 = arith.select %eq3A_202, %broadcast_in_dim3A_212, %broadcast_in_dim3A_213 : vector<16xi1>, vector<16xi32>
      %add3A_215 = arith.addi %scan3A_190, %select_n3A_214 : vector<16xi32>
      scf.yield %add3A_215 : vector<16xi32>
    }
    %scan3A_82 = arith.constant 10 : i32
    %reduce_sum3A_83 = arith.constant true
    %reduce_sum3A_84 = vector.broadcast %reduce_sum3A_83 : i1 to vector<16xi1>
    %reduce_sum3A_85 = tpu.scan <sum>, %scan3A_81 masked %reduce_sum3A_84 : vector<16xi32>, vector<16xi1> -> vector<16xi32>
    %reduce_sum3A_86 = vector.extract %reduce_sum3A_85[15] : i32 from vector<16xi32>
    %add3A_87 = arith.constant 480 : i32
    %add3A_88 = arith.addi %mul3A_2, %add3A_87 : i32
    %dma_start3A_89 = tpu.memref_slice %arg3[%add3A_88] : memref<819200xi32, #tpu.memory_space<hbm>> -> memref<160xi32, #tpu.memory_space<hbm>>
    %dma_start3A_90 = tpu.memref_slice %arg3[%add3A_88] : memref<819200xi32, #tpu.memory_space<hbm>> -> memref<160xi32, #tpu.memory_space<hbm>>
    tpu.enqueue_dma source(%dma_start3A_90 : memref<160xi32, #tpu.memory_space<hbm>>) target(%arg9 : memref<160xi32, #tpu.memory_space<vmem>>) target_semaphore(%arg21 : memref<!tpu.dma_semaphore, #tpu.memory_space<semaphore_mem>>)
    %dma_start3A_91 = tpu.memref_slice %arg2[%add3A_88] : memref<819200xi32, #tpu.memory_space<hbm>> -> memref<160xi32, #tpu.memory_space<hbm>>
    %dma_start3A_92 = tpu.memref_slice %arg2[%add3A_88] : memref<819200xi32, #tpu.memory_space<hbm>> -> memref<160xi32, #tpu.memory_space<hbm>>
    tpu.enqueue_dma source(%dma_start3A_92 : memref<160xi32, #tpu.memory_space<hbm>>) target(%arg11 : memref<160xi32, #tpu.memory_space<vmem>>) target_semaphore(%arg21 : memref<!tpu.dma_semaphore, #tpu.memory_space<semaphore_mem>>)
    %dma_wait3A_93 = arith.constant 0 : i32
    %dma_wait3A_94 = arith.constant 0 : i32
    %dma_wait3A_95 = tpu.memref_slice %arg5[%dma_wait3A_93, %dma_wait3A_94] : memref<100000x64xf32, #tpu.memory_space<hbm>> -> memref<100000x64xf32, #tpu.memory_space<hbm>>
    tpu.wait_indirect_dma semaphore(%arg19 : memref<!tpu.dma_semaphore, #tpu.memory_space<semaphore_mem>>) src(%dma_wait3A_95 : memref<100000x64xf32, #tpu.memory_space<hbm>>) dst(%arg17 : memref<160x64xf32, #tpu.memory_space<vmem>>)
    %gt3A_96 = arith.constant 0 : i32
    %gt3A_97 = arith.cmpi sgt, %reduce_sum3A_48, %gt3A_96 : i32
    %convert_element_type3A_98 = arith.extui %gt3A_97 : i1 to i32
    %cond3A_99 = arith.constant 0 : i32
    %cond3A_100 = arith.cmpi ne, %convert_element_type3A_98, %cond3A_99 : i32
    scf.if %cond3A_100 {
      %scan3A_189 = arith.constant 0 : i32
      %scan3A_190 = arith.constant 0 : i32
      %scan3A_191 = arith.constant 160 : i32
      %scan3A_192 = arith.addi %scan3A_190, %scan3A_191 : i32
      %scan3A_193 = arith.constant 1 : i32
      %scan3A_194 = scf.for %scan3A_196 = %scan3A_190 to %scan3A_192 step %scan3A_193 iter_args(%scan3A_197 = %scan3A_189) -> (i32)  : i32 {
        %broadcast_in_dim3A_198 = vector.broadcast %scan3A_196 : i32 to vector<16xi32>
        %gather3A = tpu.vector_load_idx %arg15[%broadcast_in_dim3A_198] : memref<160xf32, #tpu.memory_space<vmem>>[vector<16xi32>], vector<16xf32>,
        %get3A = arith.index_cast %scan3A_196 : i32 to index
        %get3A_199 = arith.constant 0 : index
        %get3A_200 = tpu.vector_load %arg17[%get3A, %get3A_199] {strides = array<i32>} : memref<160x64xf32, #tpu.memory_space<vmem>>, vector<16xf32>,
        %mul3A_201 = arith.mulf %get3A_200, %gather3A : vector<16xf32>
        %swap3A = arith.index_cast %scan3A_196 : i32 to index
        %swap3A_202 = arith.constant 0 : index
        %swap3A_203 = tpu.vector_load %arg17[%swap3A, %swap3A_202] {strides = array<i32>} : memref<160x64xf32, #tpu.memory_space<vmem>>, vector<16xf32>,
        tpu.vector_store %arg17[%swap3A, %swap3A_202], %mul3A_201 {strides = array<i32>} : memref<160x64xf32, #tpu.memory_space<vmem>>, vector<16xf32>,
        %get3A_204 = arith.index_cast %scan3A_196 : i32 to index
        %get3A_205 = arith.constant 16 : index
        %get3A_206 = tpu.vector_load %arg17[%get3A_204, %get3A_205] {strides = array<i32>} : memref<160x64xf32, #tpu.memory_space<vmem>>, vector<16xf32>,
        %mul3A_207 = arith.mulf %get3A_206, %gather3A : vector<16xf32>
        %swap3A_208 = arith.index_cast %scan3A_196 : i32 to index
        %swap3A_209 = arith.constant 16 : index
        %swap3A_210 = tpu.vector_load %arg17[%swap3A_208, %swap3A_209] {strides = array<i32>} : memref<160x64xf32, #tpu.memory_space<vmem>>, vector<16xf32>,
        tpu.vector_store %arg17[%swap3A_208, %swap3A_209], %mul3A_207 {strides = array<i32>} : memref<160x64xf32, #tpu.memory_space<vmem>>, vector<16xf32>,
        %get3A_211 = arith.index_cast %scan3A_196 : i32 to index
        %get3A_212 = arith.constant 32 : index
        %get3A_213 = tpu.vector_load %arg17[%get3A_211, %get3A_212] {strides = array<i32>} : memref<160x64xf32, #tpu.memory_space<vmem>>, vector<16xf32>,
        %mul3A_214 = arith.mulf %get3A_213, %gather3A : vector<16xf32>
        %swap3A_215 = arith.index_cast %scan3A_196 : i32 to index
        %swap3A_216 = arith.constant 32 : index
        %swap3A_217 = tpu.vector_load %arg17[%swap3A_215, %swap3A_216] {strides = array<i32>} : memref<160x64xf32, #tpu.memory_space<vmem>>, vector<16xf32>,
        tpu.vector_store %arg17[%swap3A_215, %swap3A_216], %mul3A_214 {strides = array<i32>} : memref<160x64xf32, #tpu.memory_space<vmem>>, vector<16xf32>,
        %get3A_218 = arith.index_cast %scan3A_196 : i32 to index
        %get3A_219 = arith.constant 48 : index
        %get3A_220 = tpu.vector_load %arg17[%get3A_218, %get3A_219] {strides = array<i32>} : memref<160x64xf32, #tpu.memory_space<vmem>>, vector<16xf32>,
        %mul3A_221 = arith.mulf %get3A_220, %gather3A : vector<16xf32>
        %swap3A_222 = arith.index_cast %scan3A_196 : i32 to index
        %swap3A_223 = arith.constant 48 : index
        %swap3A_224 = tpu.vector_load %arg17[%swap3A_222, %swap3A_223] {strides = array<i32>} : memref<160x64xf32, #tpu.memory_space<vmem>>, vector<16xf32>,
        tpu.vector_store %arg17[%swap3A_222, %swap3A_223], %mul3A_221 {strides = array<i32>} : memref<160x64xf32, #tpu.memory_space<vmem>>, vector<16xf32>,
        %scan3A_225 = arith.constant 0 : i32
        scf.yield %scan3A_225 : i32
      }
      %scan3A_195 = arith.constant 160 : i32
    } else {
    }
    %add3A_101 = arith.constant 160 : i32
    %add3A_102 = arith.addi %mul3A_2, %add3A_101 : i32
    %dma_start3A_103 = arith.constant 0 : i32
    %dma_start3A_104 = tpu.memref_slice %arg6[%add3A_102, %dma_start3A_103] : memref<819200x64xf32, #tpu.memory_space<hbm>> -> memref<160x64xf32, #tpu.memory_space<hbm>>
    %dma_start3A_105 = arith.constant 0 : i32
    %dma_start3A_106 = tpu.memref_slice %arg6[%add3A_102, %dma_start3A_105] : memref<819200x64xf32, #tpu.memory_space<hbm>> -> memref<160x64xf32, #tpu.memory_space<hbm>>
    tpu.enqueue_dma source(%arg17 : memref<160x64xf32, #tpu.memory_space<vmem>>) target(%dma_start3A_106 : memref<160x64xf32, #tpu.memory_space<hbm>>) target_semaphore(%arg23 : memref<!tpu.dma_semaphore, #tpu.memory_space<semaphore_mem>>)
    %add3A_107 = arith.constant 0 : i32
    %add3A_108 = arith.addi %mul3A_2, %add3A_107 : i32
    %dma_wait3A_109 = arith.constant 0 : i32
    %dma_wait3A_110 = tpu.memref_slice %arg6[%add3A_108, %dma_wait3A_109] : memref<819200x64xf32, #tpu.memory_space<hbm>> -> memref<160x64xf32, #tpu.memory_space<hbm>>
    %dma_wait3A_111 = arith.constant 0 : i32
    %dma_wait3A_112 = tpu.memref_slice %arg6[%add3A_108, %dma_wait3A_111] : memref<819200x64xf32, #tpu.memory_space<hbm>> -> memref<160x64xf32, #tpu.memory_space<hbm>>
    tpu.wait_dma2 semaphore(%arg22 : memref<!tpu.dma_semaphore, #tpu.memory_space<semaphore_mem>>) src(%arg16 : memref<160x64xf32, #tpu.memory_space<vmem>>) dst(%dma_wait3A_112 : memref<160x64xf32, #tpu.memory_space<hbm>>)
    %dma_start3A_113 = arith.constant 0 : i32
    %dma_start3A_114 = arith.constant 0 : i32
    %dma_start3A_115 = tpu.memref_slice %arg5[%dma_start3A_113, %dma_start3A_114] : memref<100000x64xf32, #tpu.memory_space<hbm>> -> memref<100000x64xf32, #tpu.memory_space<hbm>>
    tpu.enqueue_indirect_dma source(%dma_start3A_115 : memref<100000x64xf32, #tpu.memory_space<hbm>>) target(%arg16 : memref<160x64xf32, #tpu.memory_space<vmem>>) offsets(%arg12 : memref<160xi32, #tpu.memory_space<vmem>>) semaphore(%arg18 : memref<!tpu.dma_semaphore, #tpu.memory_space<semaphore_mem>>)
    %scan3A_116 = arith.constant 1 : i32
    %scan3A_117 = arith.constant 78 : i32
    %scan3A_118 = arith.addi %scan3A_116, %scan3A_117 : i32
    %scan3A_119 = arith.constant 1 : i32
    %scan3A_120 = scf.for %scan3A_189 = %scan3A_116 to %scan3A_118 step %scan3A_119 iter_args(%scan3A_190 = %reduce_sum3A_86) -> (i32)  : i32 {
      %mul3A_191 = arith.constant 2 : i32
      %mul3A_192 = arith.muli %mul3A_191, %scan3A_189 : i32
      %add3A_193 = arith.constant 1 : i32
      %add3A_194 = arith.addi %mul3A_192, %add3A_193 : i32
      %mul3A_195 = arith.constant 160 : i32
      %mul3A_196 = arith.muli %add3A_194, %mul3A_195 : i32
      %add3A_197 = arith.addi %mul3A_2, %mul3A_196 : i32
      %dma_wait3A_198 = tpu.memref_slice %arg3[%add3A_197] : memref<819200xi32, #tpu.memory_space<hbm>> -> memref<160xi32, #tpu.memory_space<hbm>>
      %dma_wait3A_199 = tpu.memref_slice %arg3[%add3A_197] : memref<819200xi32, #tpu.memory_space<hbm>> -> memref<160xi32, #tpu.memory_space<hbm>>
      tpu.wait_dma2 semaphore(%arg21 : memref<!tpu.dma_semaphore, #tpu.memory_space<semaphore_mem>>) src(%dma_wait3A_199 : memref<160xi32, #tpu.memory_space<hbm>>) dst(%arg9 : memref<160xi32, #tpu.memory_space<vmem>>)
      %dma_wait3A_200 = tpu.memref_slice %arg2[%add3A_197] : memref<819200xi32, #tpu.memory_space<hbm>> -> memref<160xi32, #tpu.memory_space<hbm>>
      %dma_wait3A_201 = tpu.memref_slice %arg2[%add3A_197] : memref<819200xi32, #tpu.memory_space<hbm>> -> memref<160xi32, #tpu.memory_space<hbm>>
      tpu.wait_dma2 semaphore(%arg21 : memref<!tpu.dma_semaphore, #tpu.memory_space<semaphore_mem>>) src(%dma_wait3A_201 : memref<160xi32, #tpu.memory_space<hbm>>) dst(%arg11 : memref<160xi32, #tpu.memory_space<vmem>>)
      %broadcast_in_dim3A_202 = arith.constant 0 : i32
      %broadcast_in_dim3A_203 = vector.broadcast %broadcast_in_dim3A_202 : i32 to vector<16xi32>
      %scan3A_204 = arith.constant 0 : i32
      %scan3A_205 = arith.constant 10 : i32
      %scan3A_206 = arith.addi %scan3A_204, %scan3A_205 : i32
      %scan3A_207 = arith.constant 1 : i32
      %scan3A_208 = scf.for %scan3A_304 = %scan3A_204 to %scan3A_206 step %scan3A_207 iter_args(%scan3A_305 = %broadcast_in_dim3A_203) -> (vector<16xi32>)  : i32 {
        %mul3A_306 = arith.constant 16 : i32
        %mul3A_307 = arith.muli %scan3A_304, %mul3A_306 : i32
        %get3A = arith.index_cast %mul3A_307 : i32 to index
        %get3A_308 = tpu.vector_load %arg9[%get3A] {strides = array<i32>} : memref<160xi32, #tpu.memory_space<vmem>>, vector<16xi32>,
        %gather3A = tpu.vector_load_idx %arg7[%get3A_308] : memref<100000xi32, #tpu.memory_space<vmem>>[vector<16xi32>], vector<16xi32>,
        %mul3A_309 = arith.constant 16 : i32
        %mul3A_310 = arith.muli %scan3A_304, %mul3A_309 : i32
        %swap3A = arith.index_cast %mul3A_310 : i32 to index
        %swap3A_311 = tpu.vector_load %arg13[%swap3A] {strides = array<i32>} : memref<160xi32, #tpu.memory_space<vmem>>, vector<16xi32>,
        tpu.vector_store %arg13[%swap3A], %gather3A {strides = array<i32>} : memref<160xi32, #tpu.memory_space<vmem>>, vector<16xi32>,
        %mul3A_312 = arith.constant 16 : i32
        %mul3A_313 = arith.muli %scan3A_304, %mul3A_312 : i32
        %get3A_314 = arith.index_cast %mul3A_313 : i32 to index
        %get3A_315 = tpu.vector_load %arg11[%get3A_314] {strides = array<i32>} : memref<160xi32, #tpu.memory_space<vmem>>, vector<16xi32>,
        %eq3A = arith.constant 0 : i32
        %eq3A_316 = vector.broadcast %eq3A : i32 to vector<16xi32>
        %eq3A_317 = arith.cmpi eq, %get3A_315, %eq3A_316 : vector<16xi32>
        %jit3A = arith.constant 0.000000e+00 : f32
        %jit3A_318 = arith.constant 1.000000e+00 : f32
        %broadcast_in_dim3A_319 = vector.broadcast %jit3A : f32 to vector<16xf32>
        %broadcast_in_dim3A_320 = vector.broadcast %jit3A_318 : f32 to vector<16xf32>
        %select_n3A = arith.select %eq3A_317, %broadcast_in_dim3A_319, %broadcast_in_dim3A_320 : vector<16xi1>, vector<16xf32>
        %mul3A_321 = arith.constant 16 : i32
        %mul3A_322 = arith.muli %scan3A_304, %mul3A_321 : i32
        %swap3A_323 = arith.index_cast %mul3A_322 : i32 to index
        %swap3A_324 = tpu.vector_load %arg15[%swap3A_323] {strides = array<i32>} : memref<160xf32, #tpu.memory_space<vmem>>, vector<16xf32>,
        tpu.vector_store %arg15[%swap3A_323], %select_n3A {strides = array<i32>} : memref<160xf32, #tpu.memory_space<vmem>>, vector<16xf32>,
        %jit3A_325 = arith.constant 1 : i32
        %jit3A_326 = arith.constant 0 : i32
        %broadcast_in_dim3A_327 = vector.broadcast %jit3A_325 : i32 to vector<16xi32>
        %broadcast_in_dim3A_328 = vector.broadcast %jit3A_326 : i32 to vector<16xi32>
        %select_n3A_329 = arith.select %eq3A_317, %broadcast_in_dim3A_327, %broadcast_in_dim3A_328 : vector<16xi1>, vector<16xi32>
        %add3A_330 = arith.addi %scan3A_305, %select_n3A_329 : vector<16xi32>
        scf.yield %add3A_330 : vector<16xi32>
      }
      %scan3A_209 = arith.constant 10 : i32
      %reduce_sum3A_210 = arith.constant true
      %reduce_sum3A_211 = vector.broadcast %reduce_sum3A_210 : i1 to vector<16xi1>
      %reduce_sum3A_212 = tpu.scan <sum>, %scan3A_208 masked %reduce_sum3A_211 : vector<16xi32>, vector<16xi1> -> vector<16xi32>
      %reduce_sum3A_213 = vector.extract %reduce_sum3A_212[15] : i32 from vector<16xi32>
      %add3A_214 = arith.constant 2 : i32
      %add3A_215 = arith.addi %mul3A_192, %add3A_214 : i32
      %mul3A_216 = arith.constant 160 : i32
      %mul3A_217 = arith.muli %add3A_215, %mul3A_216 : i32
      %add3A_218 = arith.addi %mul3A_2, %mul3A_217 : i32
      %dma_start3A_219 = tpu.memref_slice %arg3[%add3A_218] : memref<819200xi32, #tpu.memory_space<hbm>> -> memref<160xi32, #tpu.memory_space<hbm>>
      %dma_start3A_220 = tpu.memref_slice %arg3[%add3A_218] : memref<819200xi32, #tpu.memory_space<hbm>> -> memref<160xi32, #tpu.memory_space<hbm>>
      tpu.enqueue_dma source(%dma_start3A_220 : memref<160xi32, #tpu.memory_space<hbm>>) target(%arg8 : memref<160xi32, #tpu.memory_space<vmem>>) target_semaphore(%arg20 : memref<!tpu.dma_semaphore, #tpu.memory_space<semaphore_mem>>)
      %dma_start3A_221 = tpu.memref_slice %arg2[%add3A_218] : memref<819200xi32, #tpu.memory_space<hbm>> -> memref<160xi32, #tpu.memory_space<hbm>>
      %dma_start3A_222 = tpu.memref_slice %arg2[%add3A_218] : memref<819200xi32, #tpu.memory_space<hbm>> -> memref<160xi32, #tpu.memory_space<hbm>>
      tpu.enqueue_dma source(%dma_start3A_222 : memref<160xi32, #tpu.memory_space<hbm>>) target(%arg10 : memref<160xi32, #tpu.memory_space<vmem>>) target_semaphore(%arg20 : memref<!tpu.dma_semaphore, #tpu.memory_space<semaphore_mem>>)
      %dma_wait3A_223 = arith.constant 0 : i32
      %dma_wait3A_224 = arith.constant 0 : i32
      %dma_wait3A_225 = tpu.memref_slice %arg5[%dma_wait3A_223, %dma_wait3A_224] : memref<100000x64xf32, #tpu.memory_space<hbm>> -> memref<100000x64xf32, #tpu.memory_space<hbm>>
      tpu.wait_indirect_dma semaphore(%arg18 : memref<!tpu.dma_semaphore, #tpu.memory_space<semaphore_mem>>) src(%dma_wait3A_225 : memref<100000x64xf32, #tpu.memory_space<hbm>>) dst(%arg16 : memref<160x64xf32, #tpu.memory_space<vmem>>)
      %gt3A_226 = arith.constant 0 : i32
      %gt3A_227 = arith.cmpi sgt, %scan3A_190, %gt3A_226 : i32
      %convert_element_type3A_228 = arith.extui %gt3A_227 : i1 to i32
      %cond3A_229 = arith.constant 0 : i32
      %cond3A_230 = arith.cmpi ne, %convert_element_type3A_228, %cond3A_229 : i32
      scf.if %cond3A_230 {
        %scan3A_304 = arith.constant 0 : i32
        %scan3A_305 = arith.constant 0 : i32
        %scan3A_306 = arith.constant 160 : i32
        %scan3A_307 = arith.addi %scan3A_305, %scan3A_306 : i32
        %scan3A_308 = arith.constant 1 : i32
        %scan3A_309 = scf.for %scan3A_311 = %scan3A_305 to %scan3A_307 step %scan3A_308 iter_args(%scan3A_312 = %scan3A_304) -> (i32)  : i32 {
          %broadcast_in_dim3A_313 = vector.broadcast %scan3A_311 : i32 to vector<16xi32>
          %gather3A = tpu.vector_load_idx %arg14[%broadcast_in_dim3A_313] : memref<160xf32, #tpu.memory_space<vmem>>[vector<16xi32>], vector<16xf32>,
          %get3A = arith.index_cast %scan3A_311 : i32 to index
          %get3A_314 = arith.constant 0 : index
          %get3A_315 = tpu.vector_load %arg16[%get3A, %get3A_314] {strides = array<i32>} : memref<160x64xf32, #tpu.memory_space<vmem>>, vector<16xf32>,
          %mul3A_316 = arith.mulf %get3A_315, %gather3A : vector<16xf32>
          %swap3A = arith.index_cast %scan3A_311 : i32 to index
          %swap3A_317 = arith.constant 0 : index
          %swap3A_318 = tpu.vector_load %arg16[%swap3A, %swap3A_317] {strides = array<i32>} : memref<160x64xf32, #tpu.memory_space<vmem>>, vector<16xf32>,
          tpu.vector_store %arg16[%swap3A, %swap3A_317], %mul3A_316 {strides = array<i32>} : memref<160x64xf32, #tpu.memory_space<vmem>>, vector<16xf32>,
          %get3A_319 = arith.index_cast %scan3A_311 : i32 to index
          %get3A_320 = arith.constant 16 : index
          %get3A_321 = tpu.vector_load %arg16[%get3A_319, %get3A_320] {strides = array<i32>} : memref<160x64xf32, #tpu.memory_space<vmem>>, vector<16xf32>,
          %mul3A_322 = arith.mulf %get3A_321, %gather3A : vector<16xf32>
          %swap3A_323 = arith.index_cast %scan3A_311 : i32 to index
          %swap3A_324 = arith.constant 16 : index
          %swap3A_325 = tpu.vector_load %arg16[%swap3A_323, %swap3A_324] {strides = array<i32>} : memref<160x64xf32, #tpu.memory_space<vmem>>, vector<16xf32>,
          tpu.vector_store %arg16[%swap3A_323, %swap3A_324], %mul3A_322 {strides = array<i32>} : memref<160x64xf32, #tpu.memory_space<vmem>>, vector<16xf32>,
          %get3A_326 = arith.index_cast %scan3A_311 : i32 to index
          %get3A_327 = arith.constant 32 : index
          %get3A_328 = tpu.vector_load %arg16[%get3A_326, %get3A_327] {strides = array<i32>} : memref<160x64xf32, #tpu.memory_space<vmem>>, vector<16xf32>,
          %mul3A_329 = arith.mulf %get3A_328, %gather3A : vector<16xf32>
          %swap3A_330 = arith.index_cast %scan3A_311 : i32 to index
          %swap3A_331 = arith.constant 32 : index
          %swap3A_332 = tpu.vector_load %arg16[%swap3A_330, %swap3A_331] {strides = array<i32>} : memref<160x64xf32, #tpu.memory_space<vmem>>, vector<16xf32>,
          tpu.vector_store %arg16[%swap3A_330, %swap3A_331], %mul3A_329 {strides = array<i32>} : memref<160x64xf32, #tpu.memory_space<vmem>>, vector<16xf32>,
          %get3A_333 = arith.index_cast %scan3A_311 : i32 to index
          %get3A_334 = arith.constant 48 : index
          %get3A_335 = tpu.vector_load %arg16[%get3A_333, %get3A_334] {strides = array<i32>} : memref<160x64xf32, #tpu.memory_space<vmem>>, vector<16xf32>,
          %mul3A_336 = arith.mulf %get3A_335, %gather3A : vector<16xf32>
          %swap3A_337 = arith.index_cast %scan3A_311 : i32 to index
          %swap3A_338 = arith.constant 48 : index
          %swap3A_339 = tpu.vector_load %arg16[%swap3A_337, %swap3A_338] {strides = array<i32>} : memref<160x64xf32, #tpu.memory_space<vmem>>, vector<16xf32>,
          tpu.vector_store %arg16[%swap3A_337, %swap3A_338], %mul3A_336 {strides = array<i32>} : memref<160x64xf32, #tpu.memory_space<vmem>>, vector<16xf32>,
          %scan3A_340 = arith.constant 0 : i32
          scf.yield %scan3A_340 : i32
        }
        %scan3A_310 = arith.constant 160 : i32
      } else {
      }
      %mul3A_231 = arith.constant 160 : i32
      %mul3A_232 = arith.muli %mul3A_192, %mul3A_231 : i32
      %add3A_233 = arith.addi %mul3A_2, %mul3A_232 : i32
      %dma_start3A_234 = arith.constant 0 : i32
      %dma_start3A_235 = tpu.memref_slice %arg6[%add3A_233, %dma_start3A_234] : memref<819200x64xf32, #tpu.memory_space<hbm>> -> memref<160x64xf32, #tpu.memory_space<hbm>>
      %dma_start3A_236 = arith.constant 0 : i32
      %dma_start3A_237 = tpu.memref_slice %arg6[%add3A_233, %dma_start3A_236] : memref<819200x64xf32, #tpu.memory_space<hbm>> -> memref<160x64xf32, #tpu.memory_space<hbm>>
      tpu.enqueue_dma source(%arg16 : memref<160x64xf32, #tpu.memory_space<vmem>>) target(%dma_start3A_237 : memref<160x64xf32, #tpu.memory_space<hbm>>) target_semaphore(%arg22 : memref<!tpu.dma_semaphore, #tpu.memory_space<semaphore_mem>>)
      %sub3A = arith.constant 2 : i32
      %sub3A_238 = arith.subi %add3A_194, %sub3A : i32
      %mul3A_239 = arith.constant 160 : i32
      %mul3A_240 = arith.muli %sub3A_238, %mul3A_239 : i32
      %add3A_241 = arith.addi %mul3A_2, %mul3A_240 : i32
      %dma_wait3A_242 = arith.constant 0 : i32
      %dma_wait3A_243 = tpu.memref_slice %arg6[%add3A_241, %dma_wait3A_242] : memref<819200x64xf32, #tpu.memory_space<hbm>> -> memref<160x64xf32, #tpu.memory_space<hbm>>
      %dma_wait3A_244 = arith.constant 0 : i32
      %dma_wait3A_245 = tpu.memref_slice %arg6[%add3A_241, %dma_wait3A_244] : memref<819200x64xf32, #tpu.memory_space<hbm>> -> memref<160x64xf32, #tpu.memory_space<hbm>>
      tpu.wait_dma2 semaphore(%arg23 : memref<!tpu.dma_semaphore, #tpu.memory_space<semaphore_mem>>) src(%arg17 : memref<160x64xf32, #tpu.memory_space<vmem>>) dst(%dma_wait3A_245 : memref<160x64xf32, #tpu.memory_space<hbm>>)
      %dma_start3A_246 = arith.constant 0 : i32
      %dma_start3A_247 = arith.constant 0 : i32
      %dma_start3A_248 = tpu.memref_slice %arg5[%dma_start3A_246, %dma_start3A_247] : memref<100000x64xf32, #tpu.memory_space<hbm>> -> memref<100000x64xf32, #tpu.memory_space<hbm>>
      tpu.enqueue_indirect_dma source(%dma_start3A_248 : memref<100000x64xf32, #tpu.memory_space<hbm>>) target(%arg17 : memref<160x64xf32, #tpu.memory_space<vmem>>) offsets(%arg13 : memref<160xi32, #tpu.memory_space<vmem>>) semaphore(%arg19 : memref<!tpu.dma_semaphore, #tpu.memory_space<semaphore_mem>>)
      %add3A_249 = arith.constant 2 : i32
      %add3A_250 = arith.addi %mul3A_192, %add3A_249 : i32
      %mul3A_251 = arith.constant 160 : i32
      %mul3A_252 = arith.muli %add3A_250, %mul3A_251 : i32
      %add3A_253 = arith.addi %mul3A_2, %mul3A_252 : i32
      %dma_wait3A_254 = tpu.memref_slice %arg3[%add3A_253] : memref<819200xi32, #tpu.memory_space<hbm>> -> memref<160xi32, #tpu.memory_space<hbm>>
      %dma_wait3A_255 = tpu.memref_slice %arg3[%add3A_253] : memref<819200xi32, #tpu.memory_space<hbm>> -> memref<160xi32, #tpu.memory_space<hbm>>
      tpu.wait_dma2 semaphore(%arg20 : memref<!tpu.dma_semaphore, #tpu.memory_space<semaphore_mem>>) src(%dma_wait3A_255 : memref<160xi32, #tpu.memory_space<hbm>>) dst(%arg8 : memref<160xi32, #tpu.memory_space<vmem>>)
      %dma_wait3A_256 = tpu.memref_slice %arg2[%add3A_253] : memref<819200xi32, #tpu.memory_space<hbm>> -> memref<160xi32, #tpu.memory_space<hbm>>
      %dma_wait3A_257 = tpu.memref_slice %arg2[%add3A_253] : memref<819200xi32, #tpu.memory_space<hbm>> -> memref<160xi32, #tpu.memory_space<hbm>>
      tpu.wait_dma2 semaphore(%arg20 : memref<!tpu.dma_semaphore, #tpu.memory_space<semaphore_mem>>) src(%dma_wait3A_257 : memref<160xi32, #tpu.memory_space<hbm>>) dst(%arg10 : memref<160xi32, #tpu.memory_space<vmem>>)
      %broadcast_in_dim3A_258 = arith.constant 0 : i32
      %broadcast_in_dim3A_259 = vector.broadcast %broadcast_in_dim3A_258 : i32 to vector<16xi32>
      %scan3A_260 = arith.constant 0 : i32
      %scan3A_261 = arith.constant 10 : i32
      %scan3A_262 = arith.addi %scan3A_260, %scan3A_261 : i32
      %scan3A_263 = arith.constant 1 : i32
      %scan3A_264 = scf.for %scan3A_304 = %scan3A_260 to %scan3A_262 step %scan3A_263 iter_args(%scan3A_305 = %broadcast_in_dim3A_259) -> (vector<16xi32>)  : i32 {
        %mul3A_306 = arith.constant 16 : i32
        %mul3A_307 = arith.muli %scan3A_304, %mul3A_306 : i32
        %get3A = arith.index_cast %mul3A_307 : i32 to index
        %get3A_308 = tpu.vector_load %arg8[%get3A] {strides = array<i32>} : memref<160xi32, #tpu.memory_space<vmem>>, vector<16xi32>,
        %gather3A = tpu.vector_load_idx %arg7[%get3A_308] : memref<100000xi32, #tpu.memory_space<vmem>>[vector<16xi32>], vector<16xi32>,
        %mul3A_309 = arith.constant 16 : i32
        %mul3A_310 = arith.muli %scan3A_304, %mul3A_309 : i32
        %swap3A = arith.index_cast %mul3A_310 : i32 to index
        %swap3A_311 = tpu.vector_load %arg12[%swap3A] {strides = array<i32>} : memref<160xi32, #tpu.memory_space<vmem>>, vector<16xi32>,
        tpu.vector_store %arg12[%swap3A], %gather3A {strides = array<i32>} : memref<160xi32, #tpu.memory_space<vmem>>, vector<16xi32>,
        %mul3A_312 = arith.constant 16 : i32
        %mul3A_313 = arith.muli %scan3A_304, %mul3A_312 : i32
        %get3A_314 = arith.index_cast %mul3A_313 : i32 to index
        %get3A_315 = tpu.vector_load %arg10[%get3A_314] {strides = array<i32>} : memref<160xi32, #tpu.memory_space<vmem>>, vector<16xi32>,
        %eq3A = arith.constant 0 : i32
        %eq3A_316 = vector.broadcast %eq3A : i32 to vector<16xi32>
        %eq3A_317 = arith.cmpi eq, %get3A_315, %eq3A_316 : vector<16xi32>
        %jit3A = arith.constant 0.000000e+00 : f32
        %jit3A_318 = arith.constant 1.000000e+00 : f32
        %broadcast_in_dim3A_319 = vector.broadcast %jit3A : f32 to vector<16xf32>
        %broadcast_in_dim3A_320 = vector.broadcast %jit3A_318 : f32 to vector<16xf32>
        %select_n3A = arith.select %eq3A_317, %broadcast_in_dim3A_319, %broadcast_in_dim3A_320 : vector<16xi1>, vector<16xf32>
        %mul3A_321 = arith.constant 16 : i32
        %mul3A_322 = arith.muli %scan3A_304, %mul3A_321 : i32
        %swap3A_323 = arith.index_cast %mul3A_322 : i32 to index
        %swap3A_324 = tpu.vector_load %arg14[%swap3A_323] {strides = array<i32>} : memref<160xf32, #tpu.memory_space<vmem>>, vector<16xf32>,
        tpu.vector_store %arg14[%swap3A_323], %select_n3A {strides = array<i32>} : memref<160xf32, #tpu.memory_space<vmem>>, vector<16xf32>,
        %jit3A_325 = arith.constant 1 : i32
        %jit3A_326 = arith.constant 0 : i32
        %broadcast_in_dim3A_327 = vector.broadcast %jit3A_325 : i32 to vector<16xi32>
        %broadcast_in_dim3A_328 = vector.broadcast %jit3A_326 : i32 to vector<16xi32>
        %select_n3A_329 = arith.select %eq3A_317, %broadcast_in_dim3A_327, %broadcast_in_dim3A_328 : vector<16xi1>, vector<16xi32>
        %add3A_330 = arith.addi %scan3A_305, %select_n3A_329 : vector<16xi32>
        scf.yield %add3A_330 : vector<16xi32>
      }
      %scan3A_265 = arith.constant 10 : i32
      %reduce_sum3A_266 = arith.constant true
      %reduce_sum3A_267 = vector.broadcast %reduce_sum3A_266 : i1 to vector<16xi1>
      %reduce_sum3A_268 = tpu.scan <sum>, %scan3A_264 masked %reduce_sum3A_267 : vector<16xi32>, vector<16xi1> -> vector<16xi32>
      %reduce_sum3A_269 = vector.extract %reduce_sum3A_268[15] : i32 from vector<16xi32>
      %add3A_270 = arith.constant 2 : i32
      %add3A_271 = arith.addi %add3A_194, %add3A_270 : i32
      %mul3A_272 = arith.constant 160 : i32
      %mul3A_273 = arith.muli %add3A_271, %mul3A_272 : i32
      %add3A_274 = arith.addi %mul3A_2, %mul3A_273 : i32
      %dma_start3A_275 = tpu.memref_slice %arg3[%add3A_274] : memref<819200xi32, #tpu.memory_space<hbm>> -> memref<160xi32, #tpu.memory_space<hbm>>
      %dma_start3A_276 = tpu.memref_slice %arg3[%add3A_274] : memref<819200xi32, #tpu.memory_space<hbm>> -> memref<160xi32, #tpu.memory_space<hbm>>
      tpu.enqueue_dma source(%dma_start3A_276 : memref<160xi32, #tpu.memory_space<hbm>>) target(%arg9 : memref<160xi32, #tpu.memory_space<vmem>>) target_semaphore(%arg21 : memref<!tpu.dma_semaphore, #tpu.memory_space<semaphore_mem>>)
      %dma_start3A_277 = tpu.memref_slice %arg2[%add3A_274] : memref<819200xi32, #tpu.memory_space<hbm>> -> memref<160xi32, #tpu.memory_space<hbm>>
      %dma_start3A_278 = tpu.memref_slice %arg2[%add3A_274] : memref<819200xi32, #tpu.memory_space<hbm>> -> memref<160xi32, #tpu.memory_space<hbm>>
      tpu.enqueue_dma source(%dma_start3A_278 : memref<160xi32, #tpu.memory_space<hbm>>) target(%arg11 : memref<160xi32, #tpu.memory_space<vmem>>) target_semaphore(%arg21 : memref<!tpu.dma_semaphore, #tpu.memory_space<semaphore_mem>>)
      %dma_wait3A_279 = arith.constant 0 : i32
      %dma_wait3A_280 = arith.constant 0 : i32
      %dma_wait3A_281 = tpu.memref_slice %arg5[%dma_wait3A_279, %dma_wait3A_280] : memref<100000x64xf32, #tpu.memory_space<hbm>> -> memref<100000x64xf32, #tpu.memory_space<hbm>>
      tpu.wait_indirect_dma semaphore(%arg19 : memref<!tpu.dma_semaphore, #tpu.memory_space<semaphore_mem>>) src(%dma_wait3A_281 : memref<100000x64xf32, #tpu.memory_space<hbm>>) dst(%arg17 : memref<160x64xf32, #tpu.memory_space<vmem>>)
      %gt3A_282 = arith.constant 0 : i32
      %gt3A_283 = arith.cmpi sgt, %reduce_sum3A_213, %gt3A_282 : i32
      %convert_element_type3A_284 = arith.extui %gt3A_283 : i1 to i32
      %cond3A_285 = arith.constant 0 : i32
      %cond3A_286 = arith.cmpi ne, %convert_element_type3A_284, %cond3A_285 : i32
      scf.if %cond3A_286 {
        %scan3A_304 = arith.constant 0 : i32
        %scan3A_305 = arith.constant 0 : i32
        %scan3A_306 = arith.constant 160 : i32
        %scan3A_307 = arith.addi %scan3A_305, %scan3A_306 : i32
        %scan3A_308 = arith.constant 1 : i32
        %scan3A_309 = scf.for %scan3A_311 = %scan3A_305 to %scan3A_307 step %scan3A_308 iter_args(%scan3A_312 = %scan3A_304) -> (i32)  : i32 {
          %broadcast_in_dim3A_313 = vector.broadcast %scan3A_311 : i32 to vector<16xi32>
          %gather3A = tpu.vector_load_idx %arg15[%broadcast_in_dim3A_313] : memref<160xf32, #tpu.memory_space<vmem>>[vector<16xi32>], vector<16xf32>,
          %get3A = arith.index_cast %scan3A_311 : i32 to index
          %get3A_314 = arith.constant 0 : index
          %get3A_315 = tpu.vector_load %arg17[%get3A, %get3A_314] {strides = array<i32>} : memref<160x64xf32, #tpu.memory_space<vmem>>, vector<16xf32>,
          %mul3A_316 = arith.mulf %get3A_315, %gather3A : vector<16xf32>
          %swap3A = arith.index_cast %scan3A_311 : i32 to index
          %swap3A_317 = arith.constant 0 : index
          %swap3A_318 = tpu.vector_load %arg17[%swap3A, %swap3A_317] {strides = array<i32>} : memref<160x64xf32, #tpu.memory_space<vmem>>, vector<16xf32>,
          tpu.vector_store %arg17[%swap3A, %swap3A_317], %mul3A_316 {strides = array<i32>} : memref<160x64xf32, #tpu.memory_space<vmem>>, vector<16xf32>,
          %get3A_319 = arith.index_cast %scan3A_311 : i32 to index
          %get3A_320 = arith.constant 16 : index
          %get3A_321 = tpu.vector_load %arg17[%get3A_319, %get3A_320] {strides = array<i32>} : memref<160x64xf32, #tpu.memory_space<vmem>>, vector<16xf32>,
          %mul3A_322 = arith.mulf %get3A_321, %gather3A : vector<16xf32>
          %swap3A_323 = arith.index_cast %scan3A_311 : i32 to index
          %swap3A_324 = arith.constant 16 : index
          %swap3A_325 = tpu.vector_load %arg17[%swap3A_323, %swap3A_324] {strides = array<i32>} : memref<160x64xf32, #tpu.memory_space<vmem>>, vector<16xf32>,
          tpu.vector_store %arg17[%swap3A_323, %swap3A_324], %mul3A_322 {strides = array<i32>} : memref<160x64xf32, #tpu.memory_space<vmem>>, vector<16xf32>,
          %get3A_326 = arith.index_cast %scan3A_311 : i32 to index
          %get3A_327 = arith.constant 32 : index
          %get3A_328 = tpu.vector_load %arg17[%get3A_326, %get3A_327] {strides = array<i32>} : memref<160x64xf32, #tpu.memory_space<vmem>>, vector<16xf32>,
          %mul3A_329 = arith.mulf %get3A_328, %gather3A : vector<16xf32>
          %swap3A_330 = arith.index_cast %scan3A_311 : i32 to index
          %swap3A_331 = arith.constant 32 : index
          %swap3A_332 = tpu.vector_load %arg17[%swap3A_330, %swap3A_331] {strides = array<i32>} : memref<160x64xf32, #tpu.memory_space<vmem>>, vector<16xf32>,
          tpu.vector_store %arg17[%swap3A_330, %swap3A_331], %mul3A_329 {strides = array<i32>} : memref<160x64xf32, #tpu.memory_space<vmem>>, vector<16xf32>,
          %get3A_333 = arith.index_cast %scan3A_311 : i32 to index
          %get3A_334 = arith.constant 48 : index
          %get3A_335 = tpu.vector_load %arg17[%get3A_333, %get3A_334] {strides = array<i32>} : memref<160x64xf32, #tpu.memory_space<vmem>>, vector<16xf32>,
          %mul3A_336 = arith.mulf %get3A_335, %gather3A : vector<16xf32>
          %swap3A_337 = arith.index_cast %scan3A_311 : i32 to index
          %swap3A_338 = arith.constant 48 : index
          %swap3A_339 = tpu.vector_load %arg17[%swap3A_337, %swap3A_338] {strides = array<i32>} : memref<160x64xf32, #tpu.memory_space<vmem>>, vector<16xf32>,
          tpu.vector_store %arg17[%swap3A_337, %swap3A_338], %mul3A_336 {strides = array<i32>} : memref<160x64xf32, #tpu.memory_space<vmem>>, vector<16xf32>,
          %scan3A_340 = arith.constant 0 : i32
          scf.yield %scan3A_340 : i32
        }
        %scan3A_310 = arith.constant 160 : i32
      } else {
      }
      %mul3A_287 = arith.constant 160 : i32
      %mul3A_288 = arith.muli %add3A_194, %mul3A_287 : i32
      %add3A_289 = arith.addi %mul3A_2, %mul3A_288 : i32
      %dma_start3A_290 = arith.constant 0 : i32
      %dma_start3A_291 = tpu.memref_slice %arg6[%add3A_289, %dma_start3A_290] : memref<819200x64xf32, #tpu.memory_space<hbm>> -> memref<160x64xf32, #tpu.memory_space<hbm>>
      %dma_start3A_292 = arith.constant 0 : i32
      %dma_start3A_293 = tpu.memref_slice %arg6[%add3A_289, %dma_start3A_292] : memref<819200x64xf32, #tpu.memory_space<hbm>> -> memref<160x64xf32, #tpu.memory_space<hbm>>
      tpu.enqueue_dma source(%arg17 : memref<160x64xf32, #tpu.memory_space<vmem>>) target(%dma_start3A_293 : memref<160x64xf32, #tpu.memory_space<hbm>>) target_semaphore(%arg23 : memref<!tpu.dma_semaphore, #tpu.memory_space<semaphore_mem>>)
      %mul3A_294 = arith.constant 160 : i32
      %mul3A_295 = arith.muli %mul3A_192, %mul3A_294 : i32
      %add3A_296 = arith.addi %mul3A_2, %mul3A_295 : i32
      %dma_wait3A_297 = arith.constant 0 : i32
      %dma_wait3A_298 = tpu.memref_slice %arg6[%add3A_296, %dma_wait3A_297] : memref<819200x64xf32, #tpu.memory_space<hbm>> -> memref<160x64xf32, #tpu.memory_space<hbm>>
      %dma_wait3A_299 = arith.constant 0 : i32
      %dma_wait3A_300 = tpu.memref_slice %arg6[%add3A_296, %dma_wait3A_299] : memref<819200x64xf32, #tpu.memory_space<hbm>> -> memref<160x64xf32, #tpu.memory_space<hbm>>
      tpu.wait_dma2 semaphore(%arg22 : memref<!tpu.dma_semaphore, #tpu.memory_space<semaphore_mem>>) src(%arg16 : memref<160x64xf32, #tpu.memory_space<vmem>>) dst(%dma_wait3A_300 : memref<160x64xf32, #tpu.memory_space<hbm>>)
      %dma_start3A_301 = arith.constant 0 : i32
      %dma_start3A_302 = arith.constant 0 : i32
      %dma_start3A_303 = tpu.memref_slice %arg5[%dma_start3A_301, %dma_start3A_302] : memref<100000x64xf32, #tpu.memory_space<hbm>> -> memref<100000x64xf32, #tpu.memory_space<hbm>>
      tpu.enqueue_indirect_dma source(%dma_start3A_303 : memref<100000x64xf32, #tpu.memory_space<hbm>>) target(%arg16 : memref<160x64xf32, #tpu.memory_space<vmem>>) offsets(%arg12 : memref<160xi32, #tpu.memory_space<vmem>>) semaphore(%arg18 : memref<!tpu.dma_semaphore, #tpu.memory_space<semaphore_mem>>)
      scf.yield %reduce_sum3A_269 : i32
    }
    %scan3A_121 = arith.constant 78 : i32
    %add3A_122 = arith.constant 25440 : i32
    %add3A_123 = arith.addi %mul3A_2, %add3A_122 : i32
    %dma_wait3A_124 = tpu.memref_slice %arg3[%add3A_123] : memref<819200xi32, #tpu.memory_space<hbm>> -> memref<160xi32, #tpu.memory_space<hbm>>
    %dma_wait3A_125 = tpu.memref_slice %arg3[%add3A_123] : memref<819200xi32, #tpu.memory_space<hbm>> -> memref<160xi32, #tpu.memory_space<hbm>>
    tpu.wait_dma2 semaphore(%arg21 : memref<!tpu.dma_semaphore, #tpu.memory_space<semaphore_mem>>) src(%dma_wait3A_125 : memref<160xi32, #tpu.memory_space<hbm>>) dst(%arg9 : memref<160xi32, #tpu.memory_space<vmem>>)
    %dma_wait3A_126 = tpu.memref_slice %arg2[%add3A_123] : memref<819200xi32, #tpu.memory_space<hbm>> -> memref<160xi32, #tpu.memory_space<hbm>>
    %dma_wait3A_127 = tpu.memref_slice %arg2[%add3A_123] : memref<819200xi32, #tpu.memory_space<hbm>> -> memref<160xi32, #tpu.memory_space<hbm>>
    tpu.wait_dma2 semaphore(%arg21 : memref<!tpu.dma_semaphore, #tpu.memory_space<semaphore_mem>>) src(%dma_wait3A_127 : memref<160xi32, #tpu.memory_space<hbm>>) dst(%arg11 : memref<160xi32, #tpu.memory_space<vmem>>)
    %broadcast_in_dim3A_128 = arith.constant 0 : i32
    %broadcast_in_dim3A_129 = vector.broadcast %broadcast_in_dim3A_128 : i32 to vector<16xi32>
    %scan3A_130 = arith.constant 0 : i32
    %scan3A_131 = arith.constant 10 : i32
    %scan3A_132 = arith.addi %scan3A_130, %scan3A_131 : i32
    %scan3A_133 = arith.constant 1 : i32
    %scan3A_134 = scf.for %scan3A_189 = %scan3A_130 to %scan3A_132 step %scan3A_133 iter_args(%scan3A_190 = %broadcast_in_dim3A_129) -> (vector<16xi32>)  : i32 {
      %mul3A_191 = arith.constant 16 : i32
      %mul3A_192 = arith.muli %scan3A_189, %mul3A_191 : i32
      %get3A = arith.index_cast %mul3A_192 : i32 to index
      %get3A_193 = tpu.vector_load %arg9[%get3A] {strides = array<i32>} : memref<160xi32, #tpu.memory_space<vmem>>, vector<16xi32>,
      %gather3A = tpu.vector_load_idx %arg7[%get3A_193] : memref<100000xi32, #tpu.memory_space<vmem>>[vector<16xi32>], vector<16xi32>,
      %mul3A_194 = arith.constant 16 : i32
      %mul3A_195 = arith.muli %scan3A_189, %mul3A_194 : i32
      %swap3A = arith.index_cast %mul3A_195 : i32 to index
      %swap3A_196 = tpu.vector_load %arg13[%swap3A] {strides = array<i32>} : memref<160xi32, #tpu.memory_space<vmem>>, vector<16xi32>,
      tpu.vector_store %arg13[%swap3A], %gather3A {strides = array<i32>} : memref<160xi32, #tpu.memory_space<vmem>>, vector<16xi32>,
      %mul3A_197 = arith.constant 16 : i32
      %mul3A_198 = arith.muli %scan3A_189, %mul3A_197 : i32
      %get3A_199 = arith.index_cast %mul3A_198 : i32 to index
      %get3A_200 = tpu.vector_load %arg11[%get3A_199] {strides = array<i32>} : memref<160xi32, #tpu.memory_space<vmem>>, vector<16xi32>,
      %eq3A = arith.constant 0 : i32
      %eq3A_201 = vector.broadcast %eq3A : i32 to vector<16xi32>
      %eq3A_202 = arith.cmpi eq, %get3A_200, %eq3A_201 : vector<16xi32>
      %jit3A = arith.constant 0.000000e+00 : f32
      %jit3A_203 = arith.constant 1.000000e+00 : f32
      %broadcast_in_dim3A_204 = vector.broadcast %jit3A : f32 to vector<16xf32>
      %broadcast_in_dim3A_205 = vector.broadcast %jit3A_203 : f32 to vector<16xf32>
      %select_n3A = arith.select %eq3A_202, %broadcast_in_dim3A_204, %broadcast_in_dim3A_205 : vector<16xi1>, vector<16xf32>
      %mul3A_206 = arith.constant 16 : i32
      %mul3A_207 = arith.muli %scan3A_189, %mul3A_206 : i32
      %swap3A_208 = arith.index_cast %mul3A_207 : i32 to index
      %swap3A_209 = tpu.vector_load %arg15[%swap3A_208] {strides = array<i32>} : memref<160xf32, #tpu.memory_space<vmem>>, vector<16xf32>,
      tpu.vector_store %arg15[%swap3A_208], %select_n3A {strides = array<i32>} : memref<160xf32, #tpu.memory_space<vmem>>, vector<16xf32>,
      %jit3A_210 = arith.constant 1 : i32
      %jit3A_211 = arith.constant 0 : i32
      %broadcast_in_dim3A_212 = vector.broadcast %jit3A_210 : i32 to vector<16xi32>
      %broadcast_in_dim3A_213 = vector.broadcast %jit3A_211 : i32 to vector<16xi32>
      %select_n3A_214 = arith.select %eq3A_202, %broadcast_in_dim3A_212, %broadcast_in_dim3A_213 : vector<16xi1>, vector<16xi32>
      %add3A_215 = arith.addi %scan3A_190, %select_n3A_214 : vector<16xi32>
      scf.yield %add3A_215 : vector<16xi32>
    }
    %scan3A_135 = arith.constant 10 : i32
    %reduce_sum3A_136 = arith.constant true
    %reduce_sum3A_137 = vector.broadcast %reduce_sum3A_136 : i1 to vector<16xi1>
    %reduce_sum3A_138 = tpu.scan <sum>, %scan3A_134 masked %reduce_sum3A_137 : vector<16xi32>, vector<16xi1> -> vector<16xi32>
    %reduce_sum3A_139 = vector.extract %reduce_sum3A_138[15] : i32 from vector<16xi32>
    %dma_wait3A_140 = arith.constant 0 : i32
    %dma_wait3A_141 = arith.constant 0 : i32
    %dma_wait3A_142 = tpu.memref_slice %arg5[%dma_wait3A_140, %dma_wait3A_141] : memref<100000x64xf32, #tpu.memory_space<hbm>> -> memref<100000x64xf32, #tpu.memory_space<hbm>>
    tpu.wait_indirect_dma semaphore(%arg18 : memref<!tpu.dma_semaphore, #tpu.memory_space<semaphore_mem>>) src(%dma_wait3A_142 : memref<100000x64xf32, #tpu.memory_space<hbm>>) dst(%arg16 : memref<160x64xf32, #tpu.memory_space<vmem>>)
    %gt3A_143 = arith.constant 0 : i32
    %gt3A_144 = arith.cmpi sgt, %scan3A_120, %gt3A_143 : i32
    %convert_element_type3A_145 = arith.extui %gt3A_144 : i1 to i32
    %cond3A_146 = arith.constant 0 : i32
    %cond3A_147 = arith.cmpi ne, %convert_element_type3A_145, %cond3A_146 : i32
    scf.if %cond3A_147 {
      %scan3A_189 = arith.constant 0 : i32
      %scan3A_190 = arith.constant 0 : i32
      %scan3A_191 = arith.constant 160 : i32
      %scan3A_192 = arith.addi %scan3A_190, %scan3A_191 : i32
      %scan3A_193 = arith.constant 1 : i32
      %scan3A_194 = scf.for %scan3A_196 = %scan3A_190 to %scan3A_192 step %scan3A_193 iter_args(%scan3A_197 = %scan3A_189) -> (i32)  : i32 {
        %broadcast_in_dim3A_198 = vector.broadcast %scan3A_196 : i32 to vector<16xi32>
        %gather3A = tpu.vector_load_idx %arg14[%broadcast_in_dim3A_198] : memref<160xf32, #tpu.memory_space<vmem>>[vector<16xi32>], vector<16xf32>,
        %get3A = arith.index_cast %scan3A_196 : i32 to index
        %get3A_199 = arith.constant 0 : index
        %get3A_200 = tpu.vector_load %arg16[%get3A, %get3A_199] {strides = array<i32>} : memref<160x64xf32, #tpu.memory_space<vmem>>, vector<16xf32>,
        %mul3A_201 = arith.mulf %get3A_200, %gather3A : vector<16xf32>
        %swap3A = arith.index_cast %scan3A_196 : i32 to index
        %swap3A_202 = arith.constant 0 : index
        %swap3A_203 = tpu.vector_load %arg16[%swap3A, %swap3A_202] {strides = array<i32>} : memref<160x64xf32, #tpu.memory_space<vmem>>, vector<16xf32>,
        tpu.vector_store %arg16[%swap3A, %swap3A_202], %mul3A_201 {strides = array<i32>} : memref<160x64xf32, #tpu.memory_space<vmem>>, vector<16xf32>,
        %get3A_204 = arith.index_cast %scan3A_196 : i32 to index
        %get3A_205 = arith.constant 16 : index
        %get3A_206 = tpu.vector_load %arg16[%get3A_204, %get3A_205] {strides = array<i32>} : memref<160x64xf32, #tpu.memory_space<vmem>>, vector<16xf32>,
        %mul3A_207 = arith.mulf %get3A_206, %gather3A : vector<16xf32>
        %swap3A_208 = arith.index_cast %scan3A_196 : i32 to index
        %swap3A_209 = arith.constant 16 : index
        %swap3A_210 = tpu.vector_load %arg16[%swap3A_208, %swap3A_209] {strides = array<i32>} : memref<160x64xf32, #tpu.memory_space<vmem>>, vector<16xf32>,
        tpu.vector_store %arg16[%swap3A_208, %swap3A_209], %mul3A_207 {strides = array<i32>} : memref<160x64xf32, #tpu.memory_space<vmem>>, vector<16xf32>,
        %get3A_211 = arith.index_cast %scan3A_196 : i32 to index
        %get3A_212 = arith.constant 32 : index
        %get3A_213 = tpu.vector_load %arg16[%get3A_211, %get3A_212] {strides = array<i32>} : memref<160x64xf32, #tpu.memory_space<vmem>>, vector<16xf32>,
        %mul3A_214 = arith.mulf %get3A_213, %gather3A : vector<16xf32>
        %swap3A_215 = arith.index_cast %scan3A_196 : i32 to index
        %swap3A_216 = arith.constant 32 : index
        %swap3A_217 = tpu.vector_load %arg16[%swap3A_215, %swap3A_216] {strides = array<i32>} : memref<160x64xf32, #tpu.memory_space<vmem>>, vector<16xf32>,
        tpu.vector_store %arg16[%swap3A_215, %swap3A_216], %mul3A_214 {strides = array<i32>} : memref<160x64xf32, #tpu.memory_space<vmem>>, vector<16xf32>,
        %get3A_218 = arith.index_cast %scan3A_196 : i32 to index
        %get3A_219 = arith.constant 48 : index
        %get3A_220 = tpu.vector_load %arg16[%get3A_218, %get3A_219] {strides = array<i32>} : memref<160x64xf32, #tpu.memory_space<vmem>>, vector<16xf32>,
        %mul3A_221 = arith.mulf %get3A_220, %gather3A : vector<16xf32>
        %swap3A_222 = arith.index_cast %scan3A_196 : i32 to index
        %swap3A_223 = arith.constant 48 : index
        %swap3A_224 = tpu.vector_load %arg16[%swap3A_222, %swap3A_223] {strides = array<i32>} : memref<160x64xf32, #tpu.memory_space<vmem>>, vector<16xf32>,
        tpu.vector_store %arg16[%swap3A_222, %swap3A_223], %mul3A_221 {strides = array<i32>} : memref<160x64xf32, #tpu.memory_space<vmem>>, vector<16xf32>,
        %scan3A_225 = arith.constant 0 : i32
        scf.yield %scan3A_225 : i32
      }
      %scan3A_195 = arith.constant 160 : i32
    } else {
    }
    %add3A_148 = arith.constant 25280 : i32
    %add3A_149 = arith.addi %mul3A_2, %add3A_148 : i32
    %dma_start3A_150 = arith.constant 0 : i32
    %dma_start3A_151 = tpu.memref_slice %arg6[%add3A_149, %dma_start3A_150] : memref<819200x64xf32, #tpu.memory_space<hbm>> -> memref<160x64xf32, #tpu.memory_space<hbm>>
    %dma_start3A_152 = arith.constant 0 : i32
    %dma_start3A_153 = tpu.memref_slice %arg6[%add3A_149, %dma_start3A_152] : memref<819200x64xf32, #tpu.memory_space<hbm>> -> memref<160x64xf32, #tpu.memory_space<hbm>>
    tpu.enqueue_dma source(%arg16 : memref<160x64xf32, #tpu.memory_space<vmem>>) target(%dma_start3A_153 : memref<160x64xf32, #tpu.memory_space<hbm>>) target_semaphore(%arg22 : memref<!tpu.dma_semaphore, #tpu.memory_space<semaphore_mem>>)
    %add3A_154 = arith.constant 25120 : i32
    %add3A_155 = arith.addi %mul3A_2, %add3A_154 : i32
    %dma_wait3A_156 = arith.constant 0 : i32
    %dma_wait3A_157 = tpu.memref_slice %arg6[%add3A_155, %dma_wait3A_156] : memref<819200x64xf32, #tpu.memory_space<hbm>> -> memref<160x64xf32, #tpu.memory_space<hbm>>
    %dma_wait3A_158 = arith.constant 0 : i32
    %dma_wait3A_159 = tpu.memref_slice %arg6[%add3A_155, %dma_wait3A_158] : memref<819200x64xf32, #tpu.memory_space<hbm>> -> memref<160x64xf32, #tpu.memory_space<hbm>>
    tpu.wait_dma2 semaphore(%arg23 : memref<!tpu.dma_semaphore, #tpu.memory_space<semaphore_mem>>) src(%arg17 : memref<160x64xf32, #tpu.memory_space<vmem>>) dst(%dma_wait3A_159 : memref<160x64xf32, #tpu.memory_space<hbm>>)
    %dma_start3A_160 = arith.constant 0 : i32
    %dma_start3A_161 = arith.constant 0 : i32
    %dma_start3A_162 = tpu.memref_slice %arg5[%dma_start3A_160, %dma_start3A_161] : memref<100000x64xf32, #tpu.memory_space<hbm>> -> memref<100000x64xf32, #tpu.memory_space<hbm>>
    tpu.enqueue_indirect_dma source(%dma_start3A_162 : memref<100000x64xf32, #tpu.memory_space<hbm>>) target(%arg17 : memref<160x64xf32, #tpu.memory_space<vmem>>) offsets(%arg13 : memref<160xi32, #tpu.memory_space<vmem>>) semaphore(%arg19 : memref<!tpu.dma_semaphore, #tpu.memory_space<semaphore_mem>>)
    %dma_wait3A_163 = arith.constant 0 : i32
    %dma_wait3A_164 = arith.constant 0 : i32
    %dma_wait3A_165 = tpu.memref_slice %arg5[%dma_wait3A_163, %dma_wait3A_164] : memref<100000x64xf32, #tpu.memory_space<hbm>> -> memref<100000x64xf32, #tpu.memory_space<hbm>>
    tpu.wait_indirect_dma semaphore(%arg19 : memref<!tpu.dma_semaphore, #tpu.memory_space<semaphore_mem>>) src(%dma_wait3A_165 : memref<100000x64xf32, #tpu.memory_space<hbm>>) dst(%arg17 : memref<160x64xf32, #tpu.memory_space<vmem>>)
    %gt3A_166 = arith.constant 0 : i32
    %gt3A_167 = arith.cmpi sgt, %reduce_sum3A_139, %gt3A_166 : i32
    %convert_element_type3A_168 = arith.extui %gt3A_167 : i1 to i32
    %cond3A_169 = arith.constant 0 : i32
    %cond3A_170 = arith.cmpi ne, %convert_element_type3A_168, %cond3A_169 : i32
    scf.if %cond3A_170 {
      %scan3A_189 = arith.constant 0 : i32
      %scan3A_190 = arith.constant 0 : i32
      %scan3A_191 = arith.constant 160 : i32
      %scan3A_192 = arith.addi %scan3A_190, %scan3A_191 : i32
      %scan3A_193 = arith.constant 1 : i32
      %scan3A_194 = scf.for %scan3A_196 = %scan3A_190 to %scan3A_192 step %scan3A_193 iter_args(%scan3A_197 = %scan3A_189) -> (i32)  : i32 {
        %broadcast_in_dim3A_198 = vector.broadcast %scan3A_196 : i32 to vector<16xi32>
        %gather3A = tpu.vector_load_idx %arg15[%broadcast_in_dim3A_198] : memref<160xf32, #tpu.memory_space<vmem>>[vector<16xi32>], vector<16xf32>,
        %get3A = arith.index_cast %scan3A_196 : i32 to index
        %get3A_199 = arith.constant 0 : index
        %get3A_200 = tpu.vector_load %arg17[%get3A, %get3A_199] {strides = array<i32>} : memref<160x64xf32, #tpu.memory_space<vmem>>, vector<16xf32>,
        %mul3A_201 = arith.mulf %get3A_200, %gather3A : vector<16xf32>
        %swap3A = arith.index_cast %scan3A_196 : i32 to index
        %swap3A_202 = arith.constant 0 : index
        %swap3A_203 = tpu.vector_load %arg17[%swap3A, %swap3A_202] {strides = array<i32>} : memref<160x64xf32, #tpu.memory_space<vmem>>, vector<16xf32>,
        tpu.vector_store %arg17[%swap3A, %swap3A_202], %mul3A_201 {strides = array<i32>} : memref<160x64xf32, #tpu.memory_space<vmem>>, vector<16xf32>,
        %get3A_204 = arith.index_cast %scan3A_196 : i32 to index
        %get3A_205 = arith.constant 16 : index
        %get3A_206 = tpu.vector_load %arg17[%get3A_204, %get3A_205] {strides = array<i32>} : memref<160x64xf32, #tpu.memory_space<vmem>>, vector<16xf32>,
        %mul3A_207 = arith.mulf %get3A_206, %gather3A : vector<16xf32>
        %swap3A_208 = arith.index_cast %scan3A_196 : i32 to index
        %swap3A_209 = arith.constant 16 : index
        %swap3A_210 = tpu.vector_load %arg17[%swap3A_208, %swap3A_209] {strides = array<i32>} : memref<160x64xf32, #tpu.memory_space<vmem>>, vector<16xf32>,
        tpu.vector_store %arg17[%swap3A_208, %swap3A_209], %mul3A_207 {strides = array<i32>} : memref<160x64xf32, #tpu.memory_space<vmem>>, vector<16xf32>,
        %get3A_211 = arith.index_cast %scan3A_196 : i32 to index
        %get3A_212 = arith.constant 32 : index
        %get3A_213 = tpu.vector_load %arg17[%get3A_211, %get3A_212] {strides = array<i32>} : memref<160x64xf32, #tpu.memory_space<vmem>>, vector<16xf32>,
        %mul3A_214 = arith.mulf %get3A_213, %gather3A : vector<16xf32>
        %swap3A_215 = arith.index_cast %scan3A_196 : i32 to index
        %swap3A_216 = arith.constant 32 : index
        %swap3A_217 = tpu.vector_load %arg17[%swap3A_215, %swap3A_216] {strides = array<i32>} : memref<160x64xf32, #tpu.memory_space<vmem>>, vector<16xf32>,
        tpu.vector_store %arg17[%swap3A_215, %swap3A_216], %mul3A_214 {strides = array<i32>} : memref<160x64xf32, #tpu.memory_space<vmem>>, vector<16xf32>,
        %get3A_218 = arith.index_cast %scan3A_196 : i32 to index
        %get3A_219 = arith.constant 48 : index
        %get3A_220 = tpu.vector_load %arg17[%get3A_218, %get3A_219] {strides = array<i32>} : memref<160x64xf32, #tpu.memory_space<vmem>>, vector<16xf32>,
        %mul3A_221 = arith.mulf %get3A_220, %gather3A : vector<16xf32>
        %swap3A_222 = arith.index_cast %scan3A_196 : i32 to index
        %swap3A_223 = arith.constant 48 : index
        %swap3A_224 = tpu.vector_load %arg17[%swap3A_222, %swap3A_223] {strides = array<i32>} : memref<160x64xf32, #tpu.memory_space<vmem>>, vector<16xf32>,
        tpu.vector_store %arg17[%swap3A_222, %swap3A_223], %mul3A_221 {strides = array<i32>} : memref<160x64xf32, #tpu.memory_space<vmem>>, vector<16xf32>,
        %scan3A_225 = arith.constant 0 : i32
        scf.yield %scan3A_225 : i32
      }
      %scan3A_195 = arith.constant 160 : i32
    } else {
    }
    %add3A_171 = arith.constant 25440 : i32
    %add3A_172 = arith.addi %mul3A_2, %add3A_171 : i32
    %dma_start3A_173 = arith.constant 0 : i32
    %dma_start3A_174 = tpu.memref_slice %arg6[%add3A_172, %dma_start3A_173] : memref<819200x64xf32, #tpu.memory_space<hbm>> -> memref<160x64xf32, #tpu.memory_space<hbm>>
    %dma_start3A_175 = arith.constant 0 : i32
    %dma_start3A_176 = tpu.memref_slice %arg6[%add3A_172, %dma_start3A_175] : memref<819200x64xf32, #tpu.memory_space<hbm>> -> memref<160x64xf32, #tpu.memory_space<hbm>>
    tpu.enqueue_dma source(%arg17 : memref<160x64xf32, #tpu.memory_space<vmem>>) target(%dma_start3A_176 : memref<160x64xf32, #tpu.memory_space<hbm>>) target_semaphore(%arg23 : memref<!tpu.dma_semaphore, #tpu.memory_space<semaphore_mem>>)
    %add3A_177 = arith.constant 25280 : i32
    %add3A_178 = arith.addi %mul3A_2, %add3A_177 : i32
    %dma_wait3A_179 = arith.constant 0 : i32
    %dma_wait3A_180 = tpu.memref_slice %arg6[%add3A_178, %dma_wait3A_179] : memref<819200x64xf32, #tpu.memory_space<hbm>> -> memref<160x64xf32, #tpu.memory_space<hbm>>
    %dma_wait3A_181 = arith.constant 0 : i32
    %dma_wait3A_182 = tpu.memref_slice %arg6[%add3A_178, %dma_wait3A_181] : memref<819200x64xf32, #tpu.memory_space<hbm>> -> memref<160x64xf32, #tpu.memory_space<hbm>>
    tpu.wait_dma2 semaphore(%arg22 : memref<!tpu.dma_semaphore, #tpu.memory_space<semaphore_mem>>) src(%arg16 : memref<160x64xf32, #tpu.memory_space<vmem>>) dst(%dma_wait3A_182 : memref<160x64xf32, #tpu.memory_space<hbm>>)
    %add3A_183 = arith.constant 25440 : i32
    %add3A_184 = arith.addi %mul3A_2, %add3A_183 : i32
    %dma_wait3A_185 = arith.constant 0 : i32
    %dma_wait3A_186 = tpu.memref_slice %arg6[%add3A_184, %dma_wait3A_185] : memref<819200x64xf32, #tpu.memory_space<hbm>> -> memref<160x64xf32, #tpu.memory_space<hbm>>
    %dma_wait3A_187 = arith.constant 0 : i32
    %dma_wait3A_188 = tpu.memref_slice %arg6[%add3A_184, %dma_wait3A_187] : memref<819200x64xf32, #tpu.memory_space<hbm>> -> memref<160x64xf32, #tpu.memory_space<hbm>>
    tpu.wait_dma2 semaphore(%arg23 : memref<!tpu.dma_semaphore, #tpu.memory_space<semaphore_mem>>) src(%arg17 : memref<160x64xf32, #tpu.memory_space<vmem>>) dst(%dma_wait3A_188 : memref<160x64xf32, #tpu.memory_space<hbm>>)
    return
  }
}

</mosaic_0001>

<sc_bundles>
// kernel: _run.3.cloned.1.call-start
scs
__scs_entry_jumppad:
0x0: {  	(pc) =	sbr.rel $0x88, $3  }
0x1: {  	(tag) =	ssettag $0x0;
	lr =	simm.s32 $0x1  }
0x2: {  	[smem:$0x3F9D] =	sst lr;
	_ =	strace $0xD0000000  }
0x3: {  	_ = 	snop  }
0x4: {  	_ = 	snop  }
0x5: {  	_ = 	snop  }
0x6: {  	_ = 	snop  }
0x7: {  	_ = 	snop  }
__scs_overlays_trampoline_lowered:
0x8: {  	[smem:$0x3FAC] =	sst s0  }
0x9: {  	[smem:$0x3FAD] =	sst s1  }
0xa: {  	[smem:$0x3FAE] =	sst s2  }
0xb: {  	[smem:$0x3FAF] =	sst s3  }
0xc: {  	[smem:$0x3FB0] =	sst s4  }
0xd: {  	[smem:$0x3FB1] =	sst s5  }
0xe: {  	[smem:$0x3FB2] =	sst s6  }
0xf: {  	[smem:$0x3FB3] =	sst s7  }
0x10: {  	[smem:$0x3FB4] =	sst s8  }
0x11: {  	[smem:$0x3FB5] =	sst s9;
	s0 =	simm.s32 @!p0 $0x0  }
0x12: {  	s1 =	sld [smem:$0x3F9B];
	s0 =	simm.s32 @p0 $0x1  }
0x13: {  	[smem:$0x3FB6] =	sst s0;
	s0 =	simm.s32 @!p1 $0x0  }
0x14: {  	s2 =	sld [smem:$0x3F9A];
	s0 =	simm.s32 @p1 $0x1  }
0x15: {  	[smem:$0x3FB7] =	sst s0;
	s0 =	simm.s32 @!p2 $0x0  }
0x16: {  	s3 =	sld [smem:$0x3FDB];
	s0 =	simm.s32 @p2 $0x1  }
0x17: {  	s4 =	simm.s32 $0x1BF5;
	[smem:$0x3FB9] =	sst s0  }
0x18: {  	s0 =	sld [smem:$0x3F9C];
	_ =	swait.ge [sflag:s4], $0x0  }
0x19: {  	s7 =	sld [smem:$0x3F9D]  }
0x1a: {  	s8 =	sadd.s32 $0xFFFFE003, lr  }
0x1b: {  	s9 =	sadd.s32 $0xFFFFFEF7, lr;
	s5 =	simm.s32 $0xFFFFFFFF;
	p2 =	slt.u32 s8, $0xFFFFF086  }
0x1c: {  	p1 =	slt.u32 s9, $0xF7A;
	s5 =	simm.s32 @!p2 $0x0  }
0x1d: {  	s5 =	simm.s32 @p1 $0x1;
	p0 =	seq.s32 s7, s2  }
0x1e: {  	s7 =	smul.u32 @!p0 $0xF7A, s2;
	p2 =	seq.s32 @!p0 s5, $0x0  }
0x1f: {  	s9 =	smul.u32 $0xF7A, s1;
	s8 =	simm.s32 @!p0 $0x1BF5;
	p2 =	por !p2, p0  }
0x20: {  	[sflag:s8] =	ssyncset.s32 @!p0 $0xFFFFF086;
	s6 =	sadd.s32 @!p0 s3, s7;
	s7 =	simm.s32 @!p0 $0x108  }
0x21: {  	s3 =	sadd.s32 s3, s9;
	s6 =	sadd.s32 @!p0 $0x88, s6;
	s7 =	simm.s32 @p2 $0x1082  }
0x22: {  	[simem:s7], [sflag:s8] =	dma.local @!p0 [hbm:s6], $0xF7A  }
0x23: {  	s9 =	sor.u32 $0xD0000000, s2;
	s6 =	simm.s32 $0x108;
	_ =	swait.ge @!p0 [sflag:s8], $0x0  }
0x24: {  	s3 =	sadd.s32 $0x88, s3;
	s6 =	simm.s32 @!p1 $0x1082;
	[sflag:s4] =	ssyncset.s32 $0xFFFFF086  }
0x25: {  	[simem:s6], [sflag:s4] =	dma.local [hbm:s3], $0xF7A  }
0x26: {  	[smem:$0x3F9D] =	sst s1;
	(tag) =	ssettag s2;
	_ =	strace s9  }
0x27: {  	s1 =	sld [smem:$0x3FAD]  }
0x28: {  	s2 =	sld [smem:$0x3FAE]  }
0x29: {  	s4 =	sld [smem:$0x3FB0]  }
0x2a: {  	p0 =	seq.s32 s5, $0x0;
	s5 =	sld [smem:$0x3FB1]  }
0x2b: {  	s6 =	sld [smem:$0x3FB2]  }
0x2c: {  	s7 =	sld [smem:$0x3FB3]  }
0x2d: {  	s3 =	simm.s32 $0x108;
	s8 =	sld [smem:$0x3FB4]  }
0x2e: {  	s3 =	simm.s32 @!p0 $0x1082;
	s9 =	sld [smem:$0x3FB5]  }
0x2f: {  	lr =	sadd.s32 s0, s3;
	s0 =	sld [smem:$0x3FAC]  }
0x30: {  	s3 =	sld [smem:$0x3FAF]  }
0x31: {  	[smem:$0x3FB8] =	sst s10  }
0x32: {  	s10 =	sld [smem:$0x3FB6];
	_ =	sdelay $0x3  }
0x33: {  	p0 =	seq.s32 s10, $0x1;
	s10 =	sld [smem:$0x3FB8];
	_ =	sdelay $0x3  }
0x34: {  	[smem:$0x3FB8] =	sst s10  }
0x35: {  	s10 =	sld [smem:$0x3FB7];
	_ =	sdelay $0x3  }
0x36: {  	p1 =	seq.s32 s10, $0x1;
	s10 =	sld [smem:$0x3FB8];
	_ =	sdelay $0x3  }
0x37: {  	[smem:$0x3FB8] =	sst s10  }
0x38: {  	s10 =	sld [smem:$0x3FB9]  }
0x39: {  	_ = 	snop;
	(pc) =	sbr.ind lr, $3  }
0x3a: {  	_ = 	snop  }
0x3b: {  	_ = 	snop  }
0x3c: {  	p2 =	seq.s32 s10, $0x1;
	s10 =	sld [smem:$0x3FB8]  }
0x3d: {  	_ =	shalt  }
0x3e: {  	_ =	shalt  }
0x3f: {  	_ =	shalt  }
0x40: {  	_ =	shalt  }
0x41: {  	_ =	shalt  }
0x42: {  	_ =	shalt  }
0x43: {  	_ =	shalt  }
0x44: {  	_ =	shalt  }
0x45: {  	_ =	shalt  }
0x46: {  	_ =	shalt  }
0x47: {  	_ =	shalt  }
0x48: {  	_ =	shalt  }
0x49: {  	_ =	shalt  }
0x4a: {  	_ =	shalt  }
0x4b: {  	_ =	shalt  }
0x4c: {  	_ =	shalt  }
0x4d: {  	_ =	shalt  }
0x4e: {  	_ =	shalt  }
0x4f: {  	_ =	shalt  }
0x50: {  	_ =	shalt  }
0x51: {  	_ =	shalt  }
0x52: {  	_ =	shalt  }
0x53: {  	_ =	shalt  }
0x54: {  	_ =	shalt  }
0x55: {  	_ =	shalt  }
0x56: {  	_ =	shalt  }
0x57: {  	_ =	shalt  }
0x58: {  	_ =	shalt  }
0x59: {  	_ =	shalt  }
0x5a: {  	_ =	shalt  }
0x5b: {  	_ =	shalt  }
0x5c: {  	_ =	shalt  }
0x5d: {  	_ =	shalt  }
0x5e: {  	_ =	shalt  }
0x5f: {  	_ =	shalt  }
0x60: {  	_ =	shalt  }
0x61: {  	_ =	shalt  }
0x62: {  	_ =	shalt  }
0x63: {  	_ =	shalt  }
0x64: {  	_ =	shalt  }
0x65: {  	_ =	shalt  }
0x66: {  	_ =	shalt  }
0x67: {  	_ =	shalt  }
0x68: {  	_ =	shalt  }
0x69: {  	_ =	shalt  }
0x6a: {  	_ =	shalt  }
0x6b: {  	_ =	shalt  }
0x6c: {  	_ =	shalt  }
0x6d: {  	_ =	shalt  }
0x6e: {  	_ =	shalt  }
0x6f: {  	_ =	shalt  }
0x70: {  	_ =	shalt  }
0x71: {  	_ =	shalt  }
0x72: {  	_ =	shalt  }
0x73: {  	_ =	shalt  }
0x74: {  	_ =	shalt  }
0x75: {  	_ =	shalt  }
0x76: {  	_ =	shalt  }
0x77: {  	_ =	shalt  }
0x78: {  	_ =	shalt  }
0x79: {  	_ =	shalt  }
0x7a: {  	_ =	shalt  }
0x7b: {  	_ =	shalt  }
0x7c: {  	_ =	shalt  }
0x7d: {  	_ =	shalt  }
0x7e: {  	_ =	shalt  }
0x7f: {  	_ =	shalt  }
0x80: {  	_ =	shalt  }
0x81: {  	_ =	shalt  }
0x82: {  	_ =	shalt  }
0x83: {  	_ =	shalt  }
0x84: {  	_ =	shalt  }
0x85: {  	_ =	shalt  }
0x86: {  	_ =	shalt  }
0x87: {  	_ =	shalt  }
.Lfunc_end0:
.L_simem_size_0:
called_computation.1_lowered:
.L_overlay_start_0:
0x88: {  	s2 =	sld [smem:$0x3FD9]  }
0x89: {  	s3 =	sld [smem:$0x3FFE];
	_ =	sdelay $0x1  }
0x8a: {  	s1 =	srdreg.scid  }
0x8b: {  	s0 =	sand.u32 $0x1, s1  }
0x8c: {  	s17 =	sshll.u32 s0, $0xA;
	s2 =	sadd.s32 s3, s2  }
0x8d: {  	s2 =	sadd.s32 s2, s17  }
0x8e: {  	[smem:$0x3FC4] =	sst s2  }
0x8f: {  	_ = 	snop  }
0x90: {  	s2 =	sld [smem:$0x3FC9]  }
0x91: {  	s18 =	sld [smem:$0x3FC8]  }
0x92: {  	s4 =	sld [smem:$0x3FC7]  }
0x93: {  	s5 =	sld [smem:$0x3FD0];
	(tm) =	ssettm $0x1  }
0x94: {  	s6 =	sld [smem:$0x3FFB];
	_ =	sdelay $0x3  }
0x95: {  	_ =	strace s6  }
0x96: {  	s6 =	sld [smem:$0x3FFC];
	_ =	sdelay $0x3  }
0x97: {  	_ =	strace s6  }
0x98: {  	s6 =	sld [smem:$0x3FFD];
	_ =	sdelay $0x3  }
0x99: {  	_ =	strace s6  }
0x9a: {  	_ =	strace $0x8FFFFFFF  }
0x9b: {  	s19 =	sld [smem:$0x3FDB];
	_ =	sdelay $0x1  }
0x9c: {  	s7 =	simm.s32 $_scs_section_size  }
0x9d: {  	s8 =	simm.s32 $_size__tile_overlayer_lowered;
	s9 =	simm.s32 $_tile_overlayer_lowered  }
0x9e: {  	s22 =	simm.s32 $0x1BFF;
	s21 =	sshll.u32 s9, $0x1;
	s6 =	sadd.s32 s7, s19  }
0x9f: {  	s10 =	simm.s32 $0x0;
	s20 =	sshll.u32 s8, $0x1;
	s8 =	sadd.s32 s21, s6  }
0xa0: {  	[timem:s10], [sflag:s22] =	dma.local [hbm:s8], s20  }
0xa1: {  	_ =	swait.ge [sflag:s22], s20  }
0xa2: {  	s7 =	ssub.s32 $0x0, s20;
	[sflag:s22] =	ssyncset.done $0x0  }
0xa3: {  	[sflag:s22] =	ssyncadd.s32 s7;
	_ =	sdelay $0x1  }
0xa4: {  	s23 =	simm.s32 $0x1B8B  }
0xa5: {  	_ =	swait.ge [sflag:s23], $0x1  }
0xa6: {  	[sflag:s23] =	ssyncset.done $0x0  }
0xa7: {  	s25 =	simm.s32 $0x1B8E;
	s24 =	sld [smem:$0x3FFE];
	[sflag:s23] =	ssyncadd.s32 $0xFFFFFFFF  }
0xa8: {  	s26 =	simm.s32 $execute0_lowered;
	[smem:$0x3FD2] =	sst s25  }
0xa9: {  	s8 =	sshll.u32 s26, $0x1;
	_ =	strace $0x80000046;
	[dreg:$0x1] =	wrdreg $0xFFFFFFFF  }
0xaa: {  	s28 =	simm.s32 $_size_execute0_lowered;
	s6 =	sadd.s32 s6, s8;
	[dreg:$0x0] =	wrdreg $0x0  }
0xab: {  	s8 =	sshll.u32 s28, $0x1;
	[dreg:$0x2] =	wrdreg s6  }
0xac: {  	[dreg:$0x3] =	wrdreg s8  }
0xad: {  	[dreg:$0x4] =	wrdreg $0xC0  }
0xae: {  	_ =	task [dreg:s10], $0x5FFFF  }
0xaf: {  	[dreg:$0x1] =	wrdreg $0xFFFFFFFF  }
0xb0: {  	[dreg:$0x0] =	wrdreg $0x60  }
0xb1: {  	[dreg:$0x2] =	wrdreg s2  }
0xb2: {  	[dreg:$0x3] =	wrdreg s18  }
0xb3: {  	[dreg:$0x4] =	wrdreg s4  }
0xb4: {  	[dreg:$0x5] =	wrdreg s24  }
0xb5: {  	[dreg:$0x6] =	wrdreg s5  }
0xb6: {  	[dreg:$0x7] =	wrdreg $0x9  }
0xb7: {  	_ =	task.clear_ibuf [dreg:s10], $0x8FFFF;
	_ =	strace $0x90000046  }
0xb8: {  	s29 =	simm.s32 $0x9;
	_ =	strace $0x80000048  }
0xb9: {  	_ =	swait.ge [sflag:s29], $0x1  }
0xba: {  	[sflag:s29] =	ssyncadd.s32 $0xFFFFFFFF  }
0xbb: {  	_ =	strace $0x90000048  }
0xbc: {  	_ =	sfence  }
0xbd: {  	s30 =	sld [smem:$0x0];
	_ =	sdelay $0x2  }
0xbe: {  	s31 =	sshll.u32 s1, $0xD;
	s1 =	sshrl.u32 s1, $0x2  }
0xbf: {  	s3 =	sand.u32 $0x4000, s31;
	s1 =	sadd.s32 s1, s30  }
0xc0: {  	s0 =	sor.u32 s3, s0;
	s1 =	sshll.u32 s1, $0x11  }
0xc1: {  	s0 =	sor.u32 s1, s0  }
0xc2: {  	s0 =	sadd.s32 $0x8F2B, s0  }
0xc3: {  	[sflag:s0] =	ssyncadd.remote.s32 $0x1  }
0xc4: {  	_ =	sfence.sel $0xFFFF  }
0xc5: {  	[dreg:$0x0] =	wrdreg $0xFFFFFFFF;
	(pc) =	sbr.abs _section_cstart, $3  }
0xc6: {  	[dreg:$0x1] =	wrdreg $0xFFFFFFFF  }
0xc7: {  	_ =	task.clear_ibuf [dreg:s10], $0x2FFFF;
	_ =	strace $0x9FFFFFFF  }
0xc8: {  	(tm) =	ssettm $0x7FFFFFFF  }
0xc9: {  	_ =	shalt  }
tec
execute0_lowered:
.L_overlay_start_1:
0x0: {  	(tag) =	ssettag $0x1  }
0x1: {  	s0 =	rddreg [dreg:$0x0]  }
0x2: {  	s2 =	rddreg [dreg:$0x1]  }
0x3: {  	s1 =	rddreg [dreg:$0x3];
	s3 =	srdreg.scid  }
0x4: {  	s4 =	stileid.u32;
	s5 =	rddreg [dreg:$0x4];
	s6 =	simm.s32 $0x0  }
0x5: {  	s29 =	simm.s32 $0x3;
	s30 =	simm.s32 $0xA0;
	s13 =	simm.s32 $0x189C0  }
0x6: {  	s14 =	simm.s32 $0x1B3A0;
	s3 =	sand.u32 $0x1, s3;
	s4 =	sshll.u32 s4, $0x1  }
0x7: {  	s15 =	simm.s32 $0x2;
	s16 =	simm.s32 $0x18B00;
	s4 =	sor.u32 s3, s4  }
0x8: {  	[smem:$0x7FF] =	sst s6;
	s3 =	ssub.s32 $0x2, s3;
	s7 =	smul.u32 $0x6400, s4  }
0x9: {  	s8 =	sadd.s32 $0x800, s1;
	s17 =	sshrl.u32 s3, $0x1;
	s12 =	smul.u32 $0x32000, s4  }
0xa: {  	_ =	strace $0x80000047;
	s4 =	smul.u32 $0x190000, s4;
	s1 =	ssub.s32 s3, s17  }
0xb: {  	s17 =	simm.s32 $0x5;
	s18 =	sshrl.u32 s7, $0x3;
	s24 =	sadd.s32 s5, s12  }
0xc: {  	s9 =	sor.u32 $0xA0, s7;
	s1 =	smax.u32 s1, $0x1;
	[dreg:$0xc] =	wrdreg s24  }
0xd: {  	s4 =	sshrl.u32 s4, $0x3;
	s10 =	sadd.s32 s2, s18;
	[dreg:$0x12] =	wrdreg s1  }
0xe: {  	s19 =	sadd.s32 s0, s18;
	s20 =	sshrl.u32 s9, $0x3;
	[dreg:$0x6] =	wrdreg s10  }
0xf: {  	s12 =	simm.s32 $0x18A60;
	[dreg:$0x7] =	wrdreg s19;
	s11 =	sadd.s32 s2, s20  }
0x10: {  	s21 =	sor.u32 $0x28, s18;
	s10 =	sadd.s32 s0, s20;
	[dreg:$0x8] =	wrdreg s11  }
0x11: {  	s3 =	sor.u32 $0x3C, s18;
	s22 =	sadd.s32 s2, s21;
	[dreg:$0x9] =	wrdreg s10  }
0x12: {  	s26 =	sshll.u32 s9, $0x3;
	s23 =	sadd.s32 s0, s21;
	[dreg:$0xa] =	wrdreg s22  }
0x13: {  	s31 =	sadd.s32 s5, s4;
	s25 =	sadd.s32 s2, s3;
	[dreg:$0xb] =	wrdreg s23  }
0x14: {  	s18 =	simm.s32 $0x6;
	s3 =	sadd.s32 s0, s3;
	[dreg:$0xd] =	wrdreg s25  }
.Ltmp0:
0x15: {  	s28 =	sadd.s32 s5, s26;
	[dreg:$0xe] =	wrdreg s3;
	(pc) =	sbr.rel .LBB2_1-.Ltmp0, $4  }
0x16: {  	s1 =	simm.s32 $0x0;
	s4 =	sadd.s32 $0x31600, s31;
	[dreg:$0xf] =	wrdreg s28  }
0x17: {  	s20 =	sor.u32 $0x140, s7;
	s21 =	sor.u32 $0x1E0, s7;
	[dreg:$0x10] =	wrdreg s4  }
0x18: {  	s3 =	sadd.s32 $0x31B00, s31;
	s4 =	simm.s32 $0x18BA0;
	s10 =	simm.s32 $0x4  }
0x19: {  	v0 =	vimm.f32 $1.000000000e+00;
	v1 =	vimm.s32 $0x0;
	s11 =	simm.s32 $0x1;
	[dreg:$0x11] =	wrdreg s3;
	s3 =	simm.s32 $0x187E0  }
.LBB2_27:
0x1a: {  	s19 =	rddreg [dreg:$0x11]  }
0x1b: {  	[hbm4b:s19+s6] =	stream.linear.scatter [tilespmem:s14], [sflag:$0x6], $0x2800, $0x38;
	[tilespmem:$0x1DBA0] =	vst v63  }
0x1c: {  	_ =	swait.ge [sflag:s17], $0x2800  }
0x1d: {  	[sflag:s17] =	ssyncset.done $0x0  }
0x1e: {  	[sflag:s17] =	ssyncadd.s32 $0xFFFFD800  }
0x1f: {  	_ =	swait.ge [sflag:s18], $0x2800  }
0x20: {  	s1 =	sadd.s32 $0x1, s1;
	s31 =	rddreg [dreg:$0x12]  }
0x21: {  	p0 =	sne.s32 s1, s31  }
.Ltmp1:
0x22: {  	_ = 	snop;
	(pc) =	sbr.rel @!p0 .LBB2_28-.Ltmp1, $3  }
0x23: {  	_ =	sdelay $0x1  }
0x24: {  	[sflag:s18] =	ssyncset.done $0x0  }
0x25: {  	[sflag:s18] =	ssyncadd.s32 $0xFFFFD800  }
.LBB2_1:
0x26: {  	[dreg:$0x13] =	wrdreg s1  }
0x27: {  	s19 =	rddreg [dreg:$0x2];
	s25 =	simm.s32 $0x7  }
0x28: {  	[tilespmem:s6], [sflag:$0x7] =	stream.linear.gather [hbm4b:s19+s6], $0x186A0, $0x38;
	[tilespmem:$0x1DBA0] =	vst v63  }
0x29: {  	_ =	swait.ge [sflag:s25], $0x186A0  }
0x2a: {  	[sflag:s25] =	ssyncset.done $0x0  }
0x2b: {  	s23 =	simm.s32 $0x186A0;
	s26 =	rddreg [dreg:$0x6];
	[sflag:s25] =	ssyncadd.s32 $0xFFFE7960  }
0x2c: {  	[tilespmem:s23], [sflag:$0x3] =	stream.linear.gather [hbm4b:s26+s6], $0xA0, $0x38;
	[tilespmem:$0x1DBA0] =	vst v63  }
0x2d: {  	s24 =	simm.s32 $0x187E0;
	s28 =	rddreg [dreg:$0x7]  }
0x2e: {  	[tilespmem:s24], [sflag:$0x3] =	stream.linear.gather [hbm4b:s28+s6], $0xA0, $0x38;
	[tilespmem:$0x1DBA0] =	vst v63  }
0x2f: {  	_ =	swait.ge [sflag:s29], $0xA0  }
0x30: {  	[sflag:s29] =	ssyncset.done $0x0  }
0x31: {  	[sflag:s29] =	ssyncadd.s32 $0xFFFFFF60  }
0x32: {  	_ =	swait.ge [sflag:s29], $0xA0  }
0x33: {  	[sflag:s29] =	ssyncset.done $0x0  }
0x34: {  	[sflag:s29] =	ssyncadd.s32 $0xFFFFFF60  }
0x35: {  	v2 =	vld [tilespmem:$0x186A0];
	_ =	sdelay $0x5  }
0x36: {  	v3 =	vld [tilespmem:$0x187E0]  }
0x37: {  	v4 =	vld [tilespmem:$0x186B0]  }
0x38: {  	v2 =	vld.idx.msk [tilespmem:v2+s6+$0x0], $0xffff;
	_ =	sdelay $0x3  }
0x39: {  	vm0 =	veq.s32 v3, $0x0  }
0x3a: {  	v3 =	vld [tilespmem:$0x187F0];
	[tilespmem:$0x18920] =	vst v2;
	v2 =	vsel vm0, $0x0, v0  }
0x3b: {  	[tilespmem:$0x18A60] =	vst v2;
	v2 =	vld [tilespmem:$0x186C0];
	_ =	sdelay $0x1  }
0x3c: {  	v4 =	vld.idx.msk [tilespmem:v4+s6+$0x0], $0xffff;
	_ =	sdelay $0x1  }
0x3d: {  	vm1 =	veq.s32 v3, $0x0  }
0x3e: {  	v3 =	vsel vm1, $0x0, v0  }
0x3f: {  	v29 =	vld [tilespmem:$0x18800];
	[tilespmem:$0x18A70] =	vst v3  }
0x40: {  	v3 =	vld [tilespmem:$0x186D0];
	[tilespmem:$0x18930] =	vst v4  }
0x41: {  	v2 =	vld.idx.msk [tilespmem:v2+s6+$0x0], $0xffff;
	_ =	sdelay $0x3  }
0x42: {  	vm2 =	veq.s32 v29, $0x0  }
0x43: {  	v30 =	vld [tilespmem:$0x18810];
	[tilespmem:$0x18940] =	vst v2;
	v2 =	vsel vm2, $0x0, v0  }
0x44: {  	[tilespmem:$0x18A80] =	vst v2;
	v2 =	vld [tilespmem:$0x186E0]  }
0x45: {  	v3 =	vld.idx.msk [tilespmem:v3+s6+$0x0], $0xffff;
	_ =	sdelay $0x3  }
0x46: {  	vm3 =	veq.s32 v30, $0x0  }
0x47: {  	v31 =	vld [tilespmem:$0x18820];
	[tilespmem:$0x18950] =	vst v3;
	v3 =	vsel vm3, $0x0, v0  }
0x48: {  	[tilespmem:$0x18A90] =	vst v3;
	v3 =	vld [tilespmem:$0x186F0]  }
0x49: {  	v2 =	vld.idx.msk [tilespmem:v2+s6+$0x0], $0xffff;
	_ =	sdelay $0x3  }
0x4a: {  	vm4 =	veq.s32 v31, $0x0  }
0x4b: {  	v32 =	vld [tilespmem:$0x18830];
	[tilespmem:$0x18960] =	vst v2;
	v2 =	vsel vm4, $0x0, v0  }
0x4c: {  	[tilespmem:$0x18AA0] =	vst v2;
	v2 =	vld [tilespmem:$0x18700]  }
0x4d: {  	v3 =	vld.idx.msk [tilespmem:v3+s6+$0x0], $0xffff;
	_ =	sdelay $0x3  }
0x4e: {  	vm5 =	veq.s32 v32, $0x0  }
0x4f: {  	v33 =	vld [tilespmem:$0x18840];
	[tilespmem:$0x18970] =	vst v3;
	v3 =	vsel vm5, $0x0, v0  }
0x50: {  	[tilespmem:$0x18AB0] =	vst v3;
	v3 =	vld [tilespmem:$0x18710]  }
0x51: {  	v2 =	vld.idx.msk [tilespmem:v2+s6+$0x0], $0xffff;
	_ =	sdelay $0x3  }
0x52: {  	vm6 =	veq.s32 v33, $0x0  }
0x53: {  	v34 =	vld [tilespmem:$0x18850];
	[tilespmem:$0x18980] =	vst v2;
	v2 =	vsel vm6, $0x0, v0  }
0x54: {  	[tilespmem:$0x18AC0] =	vst v2;
	v2 =	vld [tilespmem:$0x18720]  }
0x55: {  	v3 =	vld.idx.msk [tilespmem:v3+s6+$0x0], $0xffff;
	_ =	sdelay $0x3  }
0x56: {  	vm7 =	veq.s32 v34, $0x0  }
0x57: {  	v35 =	vld [tilespmem:$0x18860];
	[tilespmem:$0x18990] =	vst v3;
	v3 =	vsel vm7, $0x0, v0  }
0x58: {  	[tilespmem:$0x18AD0] =	vst v3;
	v3 =	vld [tilespmem:$0x18730]  }
0x59: {  	v2 =	vld.idx.msk [tilespmem:v2+s6+$0x0], $0xffff;
	_ =	sdelay $0x3  }
0x5a: {  	vm8 =	veq.s32 v35, $0x0  }
0x5b: {  	[tilespmem:$0x189A0] =	vst v2;
	v2 =	vsel vm8, $0x0, v0  }
0x5c: {  	[tilespmem:$0x18AE0] =	vst v2;
	v2 =	vld [tilespmem:$0x18870]  }
0x5d: {  	v3 =	vld.idx.msk [tilespmem:v3+s6+$0x0], $0xffff;
	_ =	sdelay $0x3  }
0x5e: {  	vm9 =	veq.s32 v2, $0x0  }
0x5f: {  	[tilespmem:$0x189B0] =	vst v3;
	v2 =	vsel vm9, $0x0, v0  }
0x60: {  	s31 =	simm.s32 $0x18920;
	[tilespmem:$0x18AF0] =	vst v2  }
0x61: {  	[tilespmem:s4], [sflag:$0x1] =	stream.indirect.gather [hbm4b:s8+s30], $0x40, s31, s30, $0xb8;
	[tilespmem:$0x1DBA0] =	vst v63  }
0x62: {  	s22 =	simm.s32 $0x18740;
	s1 =	rddreg [dreg:$0x8]  }
0x63: {  	[tilespmem:s22], [sflag:$0x4] =	stream.linear.gather [hbm4b:s1+s6], $0xA0, $0x38;
	[tilespmem:$0x1DBA0] =	vst v63  }
0x64: {  	s26 =	simm.s32 $0x18880;
	s25 =	rddreg [dreg:$0x9]  }
0x65: {  	[tilespmem:s26], [sflag:$0x4] =	stream.linear.gather [hbm4b:s25+s6], $0xA0, $0x38;
	[tilespmem:$0x1DBA0] =	vst v63  }
0x66: {  	_ =	swait.ge [sflag:s10], $0xA0  }
0x67: {  	[sflag:s10] =	ssyncset.done $0x0  }
0x68: {  	[sflag:s10] =	ssyncadd.s32 $0xFFFFFF60  }
0x69: {  	_ =	swait.ge [sflag:s10], $0xA0  }
0x6a: {  	[sflag:s10] =	ssyncset.done $0x0  }
0x6b: {  	[sflag:s10] =	ssyncadd.s32 $0xFFFFFF60  }
0x6c: {  	v2 =	vld [tilespmem:$0x18740];
	_ =	sdelay $0x5  }
0x6d: {  	v3 =	vld [tilespmem:$0x18880]  }
0x6e: {  	v36 =	vld [tilespmem:$0x18750]  }
0x6f: {  	v2 =	vld.idx.msk [tilespmem:v2+s6+$0x0], $0xffff;
	_ =	sdelay $0x3  }
0x70: {  	vm10 =	veq.s32 v3, $0x0  }
0x71: {  	v3 =	vld [tilespmem:$0x18890];
	[tilespmem:$0x189C0] =	vst v2;
	v2 =	vsel vm10, $0x0, v0  }
0x72: {  	[tilespmem:$0x18B00] =	vst v2;
	v2 =	vld [tilespmem:$0x18760];
	_ =	sdelay $0x1  }
0x73: {  	v4 =	vld.idx.msk [tilespmem:v36+s6+$0x0], $0xffff;
	_ =	sdelay $0x1  }
0x74: {  	vm11 =	veq.s32 v3, $0x0  }
0x75: {  	v3 =	vsel vm11, $0x0, v0  }
0x76: {  	v37 =	vld [tilespmem:$0x188A0];
	[tilespmem:$0x18B10] =	vst v3  }
0x77: {  	v3 =	vld [tilespmem:$0x18770];
	[tilespmem:$0x189D0] =	vst v4  }
0x78: {  	v2 =	vld.idx.msk [tilespmem:v2+s6+$0x0], $0xffff;
	_ =	sdelay $0x3  }
0x79: {  	vm12 =	veq.s32 v37, $0x0  }
0x7a: {  	v38 =	vld [tilespmem:$0x188B0];
	[tilespmem:$0x189E0] =	vst v2;
	v2 =	vsel vm12, $0x0, v0  }
0x7b: {  	[tilespmem:$0x18B20] =	vst v2;
	v2 =	vld [tilespmem:$0x18780]  }
0x7c: {  	v3 =	vld.idx.msk [tilespmem:v3+s6+$0x0], $0xffff;
	_ =	sdelay $0x3  }
0x7d: {  	vm13 =	veq.s32 v38, $0x0  }
0x7e: {  	v39 =	vld [tilespmem:$0x188C0];
	[tilespmem:$0x189F0] =	vst v3;
	v3 =	vsel vm13, $0x0, v0  }
0x7f: {  	[tilespmem:$0x18B30] =	vst v3;
	v3 =	vld [tilespmem:$0x18790]  }
0x80: {  	v2 =	vld.idx.msk [tilespmem:v2+s6+$0x0], $0xffff;
	_ =	sdelay $0x3  }
0x81: {  	vm14 =	veq.s32 v39, $0x0  }
0x82: {  	v40 =	vld [tilespmem:$0x188D0];
	[tilespmem:$0x18A00] =	vst v2;
	v2 =	vsel vm14, $0x0, v0  }
0x83: {  	v46 =	vsel vm0, $0x1, v1;
	v48 =	vsel vm2, $0x1, v1;
	[tilespmem:$0x18B40] =	vst v2;
	v2 =	vld [tilespmem:$0x187A0]  }
0x84: {  	v50 =	vsel vm3, $0x1, v1;
	v9 =	vsel vm4, $0x1, v1;
	v54 =	vsel vm5, $0x1, v1;
	v3 =	vld.idx.msk [tilespmem:v3+s6+$0x0], $0xffff  }
0x85: {  	v55 =	vsel vm6, $0x1, v1;
	v57 =	vsel vm7, $0x1, v1;
	v8 =	vsel vm1, $0x1, v1  }
0x86: {  	v58 =	vsel vm8, $0x1, v1;
	v47 =	vadd.s32 v8, v46;
	v59 =	vsel vm9, $0x1, v1  }
0x87: {  	v42 =	vld [tilespmem:$0x188E0];
	vm15 =	veq.s32 v40, $0x0;
	v5 =	vsel vm10, $0x1, v1;
	v4 =	vadd.s32 v48, v47  }
0x88: {  	v45 =	vld [tilespmem:$0x188F0];
	v7 =	vsel vm12, $0x1, v1;
	v6 =	vsel vm11, $0x1, v1;
	v4 =	vadd.s32 v50, v4  }
0x89: {  	v52 =	vld [tilespmem:$0x18900];
	v5 =	vadd.s32 v6, v5;
	v4 =	vadd.s32 v9, v4;
	[tilespmem:$0x18A10] =	vst v3;
	v3 =	vsel vm15, $0x0, v0  }
0x8a: {  	v53 =	vld [tilespmem:$0x18910];
	v41 =	vsel vm13, $0x1, v1;
	v5 =	vadd.s32 v7, v5;
	v4 =	vadd.s32 v54, v4;
	[tilespmem:$0x18B50] =	vst v3  }
0x8b: {  	v43 =	vsel vm14, $0x1, v1;
	v5 =	vadd.s32 v41, v5;
	v4 =	vadd.s32 v55, v4;
	v2 =	vld.idx.msk [tilespmem:v2+s6+$0x0], $0xffff  }
0x8c: {  	v49 =	vld [tilespmem:$0x187B0];
	v44 =	vadd.s32 v43, v5;
	v4 =	vadd.s32 v57, v4;
	vm12 =	veq.s32 v42, $0x0  }
0x8d: {  	v4 =	vadd.s32 v58, v4;
	v51 =	vsel vm12, $0x1, v1;
	v3 =	vsel vm15, $0x1, v1  }
0x8e: {  	vm13 =	veq.s32 v45, $0x0;
	vm14 =	veq.s32 v52, $0x0;
	v3 =	vadd.s32 v3, v44  }
0x8f: {  	v56 =	vsel vm13, $0x1, v1;
	v60 =	vsel vm14, $0x1, v1;
	v3 =	vadd.s32 v51, v3  }
0x90: {  	vm15 =	veq.s32 v53, $0x0;
	v3 =	vadd.s32 v56, v3;
	[tilespmem:$0x18A20] =	vst v2;
	v2 =	vadd.s32 v59, v4  }
0x91: {  	v3 =	vadd.s32 v60, v3;
	(xrf0) =	vadd.scan.msk.s32 $0xffff, v2;
	v2 =	vsel vm15, $0x1, v1  }
0x92: {  	v61 =	vsel vm12, $0x0, v0;
	v2 =	vadd.s32 v2, v3;
	v3 =	vld [tilespmem:$0x187C0]  }
0x93: {  	[tilespmem:$0x18B60] =	vst v61  }
0x94: {  	v4 =	vld.idx.msk [tilespmem:v49+s6+$0x0], $0xffff;
	(xrf0) =	vadd.scan.msk.s32 $0xffff, v2;
	_ =	sdelay $0x2  }
0x95: {  	v62 =	vsel vm13, $0x0, v0;
	v2, _, _ =	vpop (xrf0)  }
0x96: {  	[tilespmem:$0x18B70] =	vst v62;
	(v2sf) =	vpush v2, $0xF  }
0x97: {  	[tilespmem:$0x18A30] =	vst v4;
	v2 =	vld [tilespmem:$0x187D0]  }
0x98: {  	v63, _, _ =	vpop (xrf0);
	v3 =	vld.idx.msk [tilespmem:v3+s6+$0x0], $0xffff  }
0x99: {  	(v2sf) =	vpush v63, $0xF;
	_ =	sdelay $0x3  }
0x9a: {  	[tilespmem:$0x18A40] =	vst v3;
	v3 =	vsel vm14, $0x0, v0  }
0x9b: {  	[tilespmem:$0x18B80] =	vst v3  }
0x9c: {  	v2 =	vld.idx.msk [tilespmem:v2+s6+$0x0], $0xffff;
	_ =	sdelay $0x4  }
0x9d: {  	[tilespmem:$0x18A50] =	vst v2;
	v2 =	vsel vm15, $0x0, v0  }
0x9e: {  	s28 =	rddreg [dreg:$0xa];
	s22 =	spop (v2sf);
	[tilespmem:$0x18B90] =	vst v2  }
0x9f: {  	[tilespmem:s23], [sflag:$0x3] =	stream.linear.gather [hbm4b:s28+s6], $0xA0, $0x38;
	[tilespmem:$0x1DBA0] =	vst v63  }
0xa0: {  	s31 =	rddreg [dreg:$0xb];
	p0 =	slt.s32 s22, $0x1  }
.Ltmp2:
0xa1: {  	s19 =	spop (v2sf);
	(pc) =	sbr.rel @p0 .LBB2_5-.Ltmp2, $4  }
0xa2: {  	[tilespmem:s24], [sflag:$0x3] =	stream.linear.gather [hbm4b:s31+s6], $0xA0, $0x38;
	[tilespmem:$0x1DBA0] =	vst v63  }
0xa3: {  	_ =	swait.ge [sflag:s11], $0x2800  }
0xa4: {  	[sflag:s11] =	ssyncset.done $0x0  }
0xa5: {  	s1 =	simm.s32 $0x186A0;
	s22 =	simm.s32 $0x18BC0;
	[sflag:s11] =	ssyncadd.s32 $0xFFFFD800  }
0xa6: {  	v2 =	vmov s6;
	_ =	sdelay $0x2  }
0xa7: {  	v4 =	vld [tilespmem:s22+$0xFFFFFFF0]  }
0xa8: {  	v5 =	vld [tilespmem:s22+$0x10]  }
0xa9: {  	v7 =	vld.idx.msk [tilespmem:v2+s12+$0x0], $0xffff  }
0xaa: {  	v2 =	vld [tilespmem:s22+$0xFFFFFFE0]  }
0xab: {  	v8 =	vld [tilespmem:s22+$0x0];
	_ =	sdelay $0x3  }
0xac: {  	s24 =	simm.s32 $0x1;
	v3 =	vmul.f32 v2, v7;
	v6 =	vmul.f32 v5, v7  }
0xad: {  	s23 =	simm.s32 $0x2;
	v2 =	vmov s24;
	v5 =	vmul.f32 v4, v7;
	v4 =	vmul.f32 v8, v7;
	s24 =	simm.s32 $0x18BC0  }
.LBB2_3:
0xae: {  	p0 =	sne.s32 s23, $0x9F  }
0xaf: {  	[tilespmem:s22+$0x10] =	vst v6;
	s24 =	sadd.s32 $0x40, s24;
	s25 =	smov.u32 s23;
	s23 =	sadd.s32 $0x1, s23  }
0xb0: {  	[tilespmem:s22+$0xFFFFFFE0] =	vst v3  }
0xb1: {  	v7 =	vld [tilespmem:s24+$0xFFFFFFF0];
	[tilespmem:s22+$0xFFFFFFF0] =	vst v5  }
0xb2: {  	v5 =	vld [tilespmem:s24+$0x10];
	[tilespmem:s22+$0x0] =	vst v4;
	s22 =	smov.u32 s24  }
0xb3: {  	v4 =	vld.idx.msk [tilespmem:v2+s12+$0x0], $0xffff  }
0xb4: {  	v2 =	vld [tilespmem:s24+$0xFFFFFFE0]  }
0xb5: {  	v8 =	vld [tilespmem:s24+$0x0]  }
.Ltmp3:
0xb6: {  	(pc) =	sbr.rel @p0 .LBB2_3-.Ltmp3, $3  }
0xb7: {  	_ =	sdelay $0x1  }
0xb8: {  	v6 =	vmul.f32 v5, v4;
	v3 =	vmul.f32 v2, v4  }
0xb9: {  	v5 =	vmul.f32 v7, v4;
	v2 =	vmov s25;
	v4 =	vmul.f32 v8, v4  }
0xba: {  	[tilespmem:s22+$0x10] =	vst v6  }
0xbb: {  	s23 =	sadd.s32 $0x40, s24;
	[tilespmem:s22+$0xFFFFFFE0] =	vst v3  }
0xbc: {  	v3 =	vld [tilespmem:s23+$0xFFFFFFF0];
	[tilespmem:s22+$0xFFFFFFF0] =	vst v5  }
0xbd: {  	v5 =	vld [tilespmem:s23+$0x10];
	[tilespmem:s22+$0x0] =	vst v4  }
0xbe: {  	v2 =	vld.idx.msk [tilespmem:v2+s12+$0x0], $0xffff  }
0xbf: {  	v4 =	vld [tilespmem:s23+$0xFFFFFFE0];
	_ =	sdelay $0x1  }
0xc0: {  	v6 =	vld [tilespmem:s23+$0x0];
	_ =	sdelay $0x1  }
0xc1: {  	v5 =	vmul.f32 v5, v2  }
0xc2: {  	v4 =	vmul.f32 v4, v2  }
0xc3: {  	v3 =	vmul.f32 v3, v2;
	[tilespmem:s23+$0x10] =	vst v5  }
0xc4: {  	v2 =	vmul.f32 v6, v2;
	[tilespmem:s23+$0xFFFFFFE0] =	vst v4  }
0xc5: {  	[tilespmem:s23+$0xFFFFFFF0] =	vst v3  }
0xc6: {  	[tilespmem:s23+$0x0] =	vst v2  }
.LBB2_5:
0xc7: {  	s23 =	simm.s32 $0x0;
	s22 =	rddreg [dreg:$0xc]  }
0xc8: {  	[hbm4b:s22+s23] =	stream.linear.scatter [tilespmem:s4], [sflag:$0x5], $0x2800, $0x38;
	[tilespmem:$0x1DBA0] =	vst v63  }
0xc9: {  	_ = 	snop  }
0xca: {  	[tilespmem:s14], [sflag:$0x2] =	stream.indirect.gather [hbm4b:s8+s30], $0x40, s13, s30, $0xb8;
	[tilespmem:$0x1DBA0] =	vst v63  }
0xcb: {  	_ =	swait.ge [sflag:s29], $0xA0  }
0xcc: {  	[sflag:s29] =	ssyncset.done $0x0  }
0xcd: {  	[sflag:s29] =	ssyncadd.s32 $0xFFFFFF60  }
0xce: {  	_ =	swait.ge [sflag:s29], $0xA0  }
0xcf: {  	[sflag:s29] =	ssyncset.done $0x0  }
0xd0: {  	[sflag:s29] =	ssyncadd.s32 $0xFFFFFF60  }
0xd1: {  	v2 =	vld [tilespmem:$0x186A0];
	_ =	sdelay $0x5  }
0xd2: {  	v3 =	vld [tilespmem:$0x187E0]  }
0xd3: {  	v4 =	vld [tilespmem:$0x186B0]  }
0xd4: {  	v2 =	vld.idx.msk [tilespmem:v2+s23+$0x0], $0xffff;
	_ =	sdelay $0x3  }
0xd5: {  	vm0 =	veq.s32 v3, $0x0  }
0xd6: {  	v3 =	vld [tilespmem:$0x187F0];
	[tilespmem:$0x18920] =	vst v2;
	v2 =	vsel vm0, $0x0, v0  }
0xd7: {  	[tilespmem:$0x18A60] =	vst v2;
	v2 =	vld [tilespmem:$0x186C0];
	_ =	sdelay $0x1  }
0xd8: {  	v4 =	vld.idx.msk [tilespmem:v4+s23+$0x0], $0xffff;
	_ =	sdelay $0x1  }
0xd9: {  	vm1 =	veq.s32 v3, $0x0  }
0xda: {  	v3 =	vsel vm1, $0x0, v0  }
0xdb: {  	v48 =	vld [tilespmem:$0x18800];
	[tilespmem:$0x18A70] =	vst v3  }
0xdc: {  	v3 =	vld [tilespmem:$0x186D0];
	[tilespmem:$0x18930] =	vst v4  }
0xdd: {  	v2 =	vld.idx.msk [tilespmem:v2+s23+$0x0], $0xffff;
	_ =	sdelay $0x3  }
0xde: {  	vm2 =	veq.s32 v48, $0x0  }
0xdf: {  	v49 =	vld [tilespmem:$0x18810];
	[tilespmem:$0x18940] =	vst v2;
	v2 =	vsel vm2, $0x0, v0  }
0xe0: {  	[tilespmem:$0x18A80] =	vst v2;
	v2 =	vld [tilespmem:$0x186E0]  }
0xe1: {  	v3 =	vld.idx.msk [tilespmem:v3+s23+$0x0], $0xffff;
	_ =	sdelay $0x3  }
0xe2: {  	vm3 =	veq.s32 v49, $0x0  }
0xe3: {  	v50 =	vld [tilespmem:$0x18820];
	[tilespmem:$0x18950] =	vst v3;
	v3 =	vsel vm3, $0x0, v0  }
0xe4: {  	[tilespmem:$0x18A90] =	vst v3;
	v3 =	vld [tilespmem:$0x186F0]  }
0xe5: {  	v2 =	vld.idx.msk [tilespmem:v2+s23+$0x0], $0xffff;
	_ =	sdelay $0x3  }
0xe6: {  	vm4 =	veq.s32 v50, $0x0  }
0xe7: {  	v51 =	vld [tilespmem:$0x18830];
	[tilespmem:$0x18960] =	vst v2;
	v2 =	vsel vm4, $0x0, v0  }
0xe8: {  	[tilespmem:$0x18AA0] =	vst v2;
	v2 =	vld [tilespmem:$0x18700]  }
0xe9: {  	v3 =	vld.idx.msk [tilespmem:v3+s23+$0x0], $0xffff;
	_ =	sdelay $0x1  }
0xea: {  	v5 =	vld [tilespmem:$0x18840]  }
0xeb: {  	v6 =	vld [tilespmem:$0x18710]  }
0xec: {  	v52 =	vld [tilespmem:$0x18850];
	vm11 =	veq.s32 v51, $0x0;
	v7 =	vsel vm0, $0x1, v1;
	v8 =	vsel vm1, $0x1, v1  }
0xed: {  	v9 =	vld [tilespmem:$0x18860];
	v53 =	vsel vm2, $0x1, v1;
	v7 =	vadd.s32 v8, v7;
	[tilespmem:$0x18970] =	vst v3;
	v3 =	vsel vm11, $0x0, v0  }
0xee: {  	v54 =	vsel vm3, $0x1, v1;
	v7 =	vadd.s32 v53, v7;
	[tilespmem:$0x18AB0] =	vst v3;
	v3 =	vld [tilespmem:$0x18870]  }
0xef: {  	v55 =	vsel vm4, $0x1, v1;
	v7 =	vadd.s32 v54, v7;
	v2 =	vld.idx.msk [tilespmem:v2+s23+$0x0], $0xffff  }
0xf0: {  	vm12 =	veq.s32 v5, $0x0;
	v56 =	vsel vm11, $0x1, v1;
	v7 =	vadd.s32 v55, v7  }
0xf1: {  	vm13 =	veq.s32 v52, $0x0;
	v57 =	vsel vm12, $0x1, v1;
	v5 =	vadd.s32 v56, v7  }
0xf2: {  	vm14 =	veq.s32 v9, $0x0;
	v58 =	vsel vm13, $0x1, v1;
	v4 =	vadd.s32 v57, v5  }
0xf3: {  	v59 =	vsel vm14, $0x1, v1;
	v4 =	vadd.s32 v58, v4;
	vm15 =	veq.s32 v3, $0x0  }
0xf4: {  	[tilespmem:$0x18980] =	vst v2;
	v2 =	vadd.s32 v59, v4;
	v60 =	vsel vm15, $0x1, v1  }
0xf5: {  	v3 =	vsel vm12, $0x0, v0;
	v2 =	vadd.s32 v60, v2  }
0xf6: {  	[tilespmem:$0x18AC0] =	vst v3;
	v3 =	vld [tilespmem:$0x18720];
	(xrf0) =	vadd.scan.msk.s32 $0xffff, v2  }
0xf7: {  	v2 =	vld.idx.msk [tilespmem:v6+s23+$0x0], $0xffff;
	_ =	sdelay $0x4  }
0xf8: {  	v61 =	vsel vm13, $0x0, v0;
	[tilespmem:$0x18990] =	vst v2;
	v2 =	vld [tilespmem:$0x18730];
	v62, _, _ =	vpop (xrf0)  }
0xf9: {  	[tilespmem:$0x18AD0] =	vst v61;
	(v2sf) =	vpush v62, $0xF  }
0xfa: {  	v3 =	vld.idx.msk [tilespmem:v3+s23+$0x0], $0xffff;
	_ =	sdelay $0x2  }
0xfb: {  	v63 =	vsel vm14, $0x0, v0  }
0xfc: {  	[tilespmem:$0x18AE0] =	vst v63  }
0xfd: {  	[tilespmem:$0x189A0] =	vst v3  }
0xfe: {  	v2 =	vld.idx.msk [tilespmem:v2+s23+$0x0], $0xffff;
	_ =	sdelay $0x4  }
0xff: {  	s28 =	rddreg [dreg:$0xd];
	[tilespmem:$0x189B0] =	vst v2;
	v2 =	vsel vm15, $0x0, v0  }
0x100: {  	s24 =	simm.s32 $0x18740;
	p0 =	slt.s32 s19, $0x1;
	s31 =	rddreg [dreg:$0xe];
	[tilespmem:$0x18AF0] =	vst v2  }
0x101: {  	[tilespmem:s24], [sflag:$0x4] =	stream.linear.gather [hbm4b:s28+s23], $0xA0, $0x38;
	[tilespmem:$0x1DBA0] =	vst v63  }
.Ltmp4:
0x102: {  	s25 =	simm.s32 $0x18880;
	s22 =	spop (v2sf);
	(pc) =	sbr.rel @p0 .LBB2_9-.Ltmp4, $4  }
0x103: {  	[tilespmem:s25], [sflag:$0x4] =	stream.linear.gather [hbm4b:s31+s23], $0xA0, $0x38;
	[tilespmem:$0x1DBA0] =	vst v63  }
0x104: {  	_ =	swait.ge [sflag:s15], $0x2800  }
0x105: {  	[sflag:s15] =	ssyncset.done $0x0  }
0x106: {  	s19 =	simm.s32 $0x1B3C0;
	[sflag:s15] =	ssyncadd.s32 $0xFFFFD800  }
0x107: {  	v2 =	vmov s23;
	_ =	sdelay $0x2  }
0x108: {  	v4 =	vld [tilespmem:s19+$0xFFFFFFF0]  }
0x109: {  	v5 =	vld [tilespmem:s19+$0x10]  }
0x10a: {  	v7 =	vld.idx.msk [tilespmem:v2+s16+$0x0], $0xffff  }
0x10b: {  	v2 =	vld [tilespmem:s19+$0xFFFFFFE0]  }
0x10c: {  	v8 =	vld [tilespmem:s19+$0x0];
	_ =	sdelay $0x3  }
0x10d: {  	s24 =	simm.s32 $0x1;
	v3 =	vmul.f32 v2, v7;
	v6 =	vmul.f32 v5, v7  }
0x10e: {  	s23 =	simm.s32 $0x2;
	v2 =	vmov s24;
	v5 =	vmul.f32 v4, v7;
	v4 =	vmul.f32 v8, v7;
	s24 =	simm.s32 $0x1B3C0  }
.LBB2_7:
0x10f: {  	p0 =	sne.s32 s23, $0x9F  }
0x110: {  	[tilespmem:s19+$0x10] =	vst v6;
	s24 =	sadd.s32 $0x40, s24;
	s25 =	smov.u32 s23;
	s23 =	sadd.s32 $0x1, s23  }
0x111: {  	[tilespmem:s19+$0xFFFFFFE0] =	vst v3  }
0x112: {  	v7 =	vld [tilespmem:s24+$0xFFFFFFF0];
	[tilespmem:s19+$0xFFFFFFF0] =	vst v5  }
0x113: {  	v5 =	vld [tilespmem:s24+$0x10];
	[tilespmem:s19+$0x0] =	vst v4;
	s19 =	smov.u32 s24  }
0x114: {  	v4 =	vld.idx.msk [tilespmem:v2+s16+$0x0], $0xffff  }
0x115: {  	v2 =	vld [tilespmem:s24+$0xFFFFFFE0]  }
0x116: {  	v8 =	vld [tilespmem:s24+$0x0]  }
.Ltmp5:
0x117: {  	(pc) =	sbr.rel @p0 .LBB2_7-.Ltmp5, $3  }
0x118: {  	_ =	sdelay $0x1  }
0x119: {  	v6 =	vmul.f32 v5, v4;
	v3 =	vmul.f32 v2, v4  }
0x11a: {  	v5 =	vmul.f32 v7, v4;
	v2 =	vmov s25;
	v4 =	vmul.f32 v8, v4  }
0x11b: {  	[tilespmem:s19+$0x10] =	vst v6  }
0x11c: {  	s23 =	sadd.s32 $0x40, s24;
	[tilespmem:s19+$0xFFFFFFE0] =	vst v3  }
0x11d: {  	v3 =	vld [tilespmem:s23+$0xFFFFFFF0];
	[tilespmem:s19+$0xFFFFFFF0] =	vst v5  }
0x11e: {  	v5 =	vld [tilespmem:s23+$0x10];
	[tilespmem:s19+$0x0] =	vst v4  }
0x11f: {  	v2 =	vld.idx.msk [tilespmem:v2+s16+$0x0], $0xffff  }
0x120: {  	v4 =	vld [tilespmem:s23+$0xFFFFFFE0];
	_ =	sdelay $0x1  }
0x121: {  	v6 =	vld [tilespmem:s23+$0x0];
	_ =	sdelay $0x1  }
0x122: {  	v5 =	vmul.f32 v5, v2  }
0x123: {  	v4 =	vmul.f32 v4, v2  }
0x124: {  	v3 =	vmul.f32 v3, v2;
	[tilespmem:s23+$0x10] =	vst v5  }
0x125: {  	v2 =	vmul.f32 v6, v2;
	[tilespmem:s23+$0xFFFFFFE0] =	vst v4  }
0x126: {  	[tilespmem:s23+$0xFFFFFFF0] =	vst v3  }
0x127: {  	[tilespmem:s23+$0x0] =	vst v2  }
.LBB2_9:
0x128: {  	s19 =	rddreg [dreg:$0xf]  }
0x129: {  	[hbm4b:s19+s6] =	stream.linear.scatter [tilespmem:s14], [sflag:$0x6], $0x2800, $0x38;
	[tilespmem:$0x1DBA0] =	vst v63  }
.Ltmp6:
0x12a: {  	_ = 	snop;
	(pc) =	sbr.rel .LBB2_10-.Ltmp6, $4  }
0x12b: {  	_ =	swait.ge [sflag:s17], $0x2800  }
0x12c: {  	[sflag:s17] =	ssyncset.done $0x0  }
0x12d: {  	s31 =	simm.s32 $0x18920;
	s23 =	simm.s32 $0x1;
	[sflag:s17] =	ssyncadd.s32 $0xFFFFD800  }
0x12e: {  	[tilespmem:s4], [sflag:$0x1] =	stream.indirect.gather [hbm4b:s8+s30], $0x40, s31, s30, $0xb8;
	[tilespmem:$0x1DBA0] =	vst v63  }
.LBB2_18:
0x12f: {  	s19 =	sadd.s32 s25, s9  }
0x130: {  	s19 =	sshll.u32 s19, $0x3  }
0x131: {  	s23 =	sadd.s32 $0x1, s23;
	s19 =	sand.u32 $0x1FFFFF00, s19  }
0x132: {  	p0 =	sne.s32 s23, $0x4F;
	s19 =	sadd.s32 s5, s19  }
0x133: {  	[hbm4b:s19+s6] =	stream.linear.scatter [tilespmem:s14], [sflag:$0x6], $0x2800, $0x38;
	[tilespmem:$0x1DBA0] =	vst v63  }
.Ltmp7:
0x134: {  	_ = 	snop;
	(pc) =	sbr.rel @!p0 .LBB2_19-.Ltmp7, $4  }
0x135: {  	_ =	swait.ge [sflag:s17], $0x2800  }
0x136: {  	[sflag:s17] =	ssyncset.done $0x0  }
0x137: {  	s31 =	simm.s32 $0x18920;
	[sflag:s17] =	ssyncadd.s32 $0xFFFFD800  }
0x138: {  	[tilespmem:s4], [sflag:$0x1] =	stream.indirect.gather [hbm4b:s8+s30], $0x40, s31, s30, $0xb8;
	[tilespmem:$0x1DBA0] =	vst v63  }
.LBB2_10:
0x139: {  	_ =	swait.ge [sflag:s10], $0xA0  }
0x13a: {  	[sflag:s10] =	ssyncset.done $0x0  }
0x13b: {  	[sflag:s10] =	ssyncadd.s32 $0xFFFFFF60  }
0x13c: {  	_ =	swait.ge [sflag:s10], $0xA0  }
0x13d: {  	[sflag:s10] =	ssyncset.done $0x0  }
0x13e: {  	[sflag:s10] =	ssyncadd.s32 $0xFFFFFF60  }
0x13f: {  	v2 =	vld [tilespmem:$0x18740];
	_ =	sdelay $0x5  }
0x140: {  	v3 =	vld [tilespmem:$0x18880]  }
0x141: {  	s24 =	simm.s32 $0x0;
	v4 =	vld [tilespmem:$0x18750]  }
0x142: {  	v2 =	vld.idx.msk [tilespmem:v2+s24+$0x0], $0xffff;
	_ =	sdelay $0x3  }
0x143: {  	vm0 =	veq.s32 v3, $0x0  }
0x144: {  	v3 =	vld [tilespmem:$0x18890];
	[tilespmem:$0x189C0] =	vst v2;
	v2 =	vsel vm0, $0x0, v0  }
0x145: {  	[tilespmem:$0x18B00] =	vst v2;
	v2 =	vld [tilespmem:$0x18760];
	_ =	sdelay $0x1  }
0x146: {  	v4 =	vld.idx.msk [tilespmem:v4+s24+$0x0], $0xffff;
	_ =	sdelay $0x1  }
0x147: {  	vm1 =	veq.s32 v3, $0x0  }
0x148: {  	v3 =	vsel vm1, $0x0, v0  }
0x149: {  	v48 =	vld [tilespmem:$0x188A0];
	[tilespmem:$0x18B10] =	vst v3  }
0x14a: {  	v3 =	vld [tilespmem:$0x18770];
	[tilespmem:$0x189D0] =	vst v4  }
0x14b: {  	v2 =	vld.idx.msk [tilespmem:v2+s24+$0x0], $0xffff;
	_ =	sdelay $0x3  }
0x14c: {  	vm2 =	veq.s32 v48, $0x0  }
0x14d: {  	v49 =	vld [tilespmem:$0x188B0];
	[tilespmem:$0x189E0] =	vst v2;
	v2 =	vsel vm2, $0x0, v0  }
0x14e: {  	[tilespmem:$0x18B20] =	vst v2;
	v2 =	vld [tilespmem:$0x18780]  }
0x14f: {  	v3 =	vld.idx.msk [tilespmem:v3+s24+$0x0], $0xffff;
	_ =	sdelay $0x3  }
0x150: {  	vm3 =	veq.s32 v49, $0x0  }
0x151: {  	v50 =	vld [tilespmem:$0x188C0];
	[tilespmem:$0x189F0] =	vst v3;
	v3 =	vsel vm3, $0x0, v0  }
0x152: {  	[tilespmem:$0x18B30] =	vst v3;
	v3 =	vld [tilespmem:$0x18790]  }
0x153: {  	v2 =	vld.idx.msk [tilespmem:v2+s24+$0x0], $0xffff;
	_ =	sdelay $0x3  }
0x154: {  	vm4 =	veq.s32 v50, $0x0  }
0x155: {  	v51 =	vld [tilespmem:$0x188D0];
	[tilespmem:$0x18A00] =	vst v2;
	v2 =	vsel vm4, $0x0, v0  }
0x156: {  	[tilespmem:$0x18B40] =	vst v2;
	v2 =	vld [tilespmem:$0x187A0]  }
0x157: {  	v3 =	vld.idx.msk [tilespmem:v3+s24+$0x0], $0xffff;
	_ =	sdelay $0x1  }
0x158: {  	v5 =	vld [tilespmem:$0x188E0]  }
0x159: {  	v6 =	vld [tilespmem:$0x187B0]  }
0x15a: {  	v52 =	vld [tilespmem:$0x188F0];
	vm11 =	veq.s32 v51, $0x0;
	v7 =	vsel vm0, $0x1, v1;
	v8 =	vsel vm1, $0x1, v1  }
0x15b: {  	v9 =	vld [tilespmem:$0x18900];
	v53 =	vsel vm2, $0x1, v1;
	v7 =	vadd.s32 v8, v7;
	[tilespmem:$0x18A10] =	vst v3;
	v3 =	vsel vm11, $0x0, v0  }
0x15c: {  	v54 =	vsel vm3, $0x1, v1;
	v7 =	vadd.s32 v53, v7;
	[tilespmem:$0x18B50] =	vst v3;
	v3 =	vld [tilespmem:$0x18910]  }
0x15d: {  	v55 =	vsel vm4, $0x1, v1;
	v7 =	vadd.s32 v54, v7;
	v2 =	vld.idx.msk [tilespmem:v2+s24+$0x0], $0xffff  }
0x15e: {  	vm12 =	veq.s32 v5, $0x0;
	v56 =	vsel vm11, $0x1, v1;
	v7 =	vadd.s32 v55, v7  }
0x15f: {  	vm13 =	veq.s32 v52, $0x0;
	v57 =	vsel vm12, $0x1, v1;
	v5 =	vadd.s32 v56, v7  }
0x160: {  	vm14 =	veq.s32 v9, $0x0;
	v58 =	vsel vm13, $0x1, v1;
	v4 =	vadd.s32 v57, v5  }
0x161: {  	v59 =	vsel vm14, $0x1, v1;
	v4 =	vadd.s32 v58, v4;
	vm15 =	veq.s32 v3, $0x0  }
0x162: {  	[tilespmem:$0x18A20] =	vst v2;
	v2 =	vadd.s32 v59, v4;
	v60 =	vsel vm15, $0x1, v1  }
0x163: {  	v3 =	vsel vm12, $0x0, v0;
	v2 =	vadd.s32 v60, v2  }
0x164: {  	[tilespmem:$0x18B60] =	vst v3;
	v3 =	vld [tilespmem:$0x187C0];
	(xrf0) =	vadd.scan.msk.s32 $0xffff, v2  }
0x165: {  	v2 =	vld.idx.msk [tilespmem:v6+s24+$0x0], $0xffff;
	_ =	sdelay $0x4  }
0x166: {  	v61 =	vsel vm13, $0x0, v0;
	[tilespmem:$0x18A30] =	vst v2;
	v2 =	vld [tilespmem:$0x187D0];
	v62, _, _ =	vpop (xrf0)  }
0x167: {  	[tilespmem:$0x18B70] =	vst v61;
	(v2sf) =	vpush v62, $0xF  }
0x168: {  	v3 =	vld.idx.msk [tilespmem:v3+s24+$0x0], $0xffff;
	_ =	sdelay $0x2  }
0x169: {  	v63 =	vsel vm14, $0x0, v0  }
0x16a: {  	[tilespmem:$0x18B80] =	vst v63  }
0x16b: {  	[tilespmem:$0x18A40] =	vst v3  }
0x16c: {  	v2 =	vld.idx.msk [tilespmem:v2+s24+$0x0], $0xffff;
	_ =	sdelay $0x1  }
0x16d: {  	s25 =	smul.u32 $0x140, s23;
	_ =	sdelay $0x1  }
0x16e: {  	s19 =	sadd.s32 s25, s20  }
0x16f: {  	s26 =	sshrl.u32 s19, $0x3;
	[tilespmem:$0x18A50] =	vst v2;
	v2 =	vsel vm15, $0x0, v0  }
0x170: {  	p0 =	slt.s32 s22, $0x1;
	s19 =	sadd.s32 s2, s26;
	[tilespmem:$0x18B90] =	vst v2  }
0x171: {  	[tilespmem:s1], [sflag:$0x3] =	stream.linear.gather [hbm4b:s19+s24], $0xA0, $0x38;
	[tilespmem:$0x1DBA0] =	vst v63  }
.Ltmp8:
0x172: {  	s26 =	sadd.s32 s0, s26;
	s19 =	spop (v2sf);
	(pc) =	sbr.rel @p0 .LBB2_14-.Ltmp8, $4  }
0x173: {  	[tilespmem:s3], [sflag:$0x3] =	stream.linear.gather [hbm4b:s26+s24], $0xA0, $0x38;
	[tilespmem:$0x1DBA0] =	vst v63  }
0x174: {  	_ =	swait.ge [sflag:s11], $0x2800  }
0x175: {  	[sflag:s11] =	ssyncset.done $0x0  }
0x176: {  	s22 =	simm.s32 $0x18BC0;
	[sflag:s11] =	ssyncadd.s32 $0xFFFFD800  }
0x177: {  	v2 =	vmov s24;
	_ =	sdelay $0x2  }
0x178: {  	v4 =	vld [tilespmem:s22+$0xFFFFFFF0]  }
0x179: {  	v5 =	vld [tilespmem:s22+$0x10]  }
0x17a: {  	v7 =	vld.idx.msk [tilespmem:v2+s12+$0x0], $0xffff  }
0x17b: {  	v2 =	vld [tilespmem:s22+$0xFFFFFFE0]  }
0x17c: {  	v8 =	vld [tilespmem:s22+$0x0];
	_ =	sdelay $0x3  }
0x17d: {  	s28 =	simm.s32 $0x1;
	v3 =	vmul.f32 v2, v7;
	v6 =	vmul.f32 v5, v7  }
0x17e: {  	s26 =	simm.s32 $0x2;
	v2 =	vmov s28;
	v5 =	vmul.f32 v4, v7;
	v4 =	vmul.f32 v8, v7;
	s28 =	simm.s32 $0x18BC0  }
.LBB2_12:
0x17f: {  	p0 =	sne.s32 s26, $0x9F  }
0x180: {  	[tilespmem:s22+$0x10] =	vst v6;
	s28 =	sadd.s32 $0x40, s28;
	s31 =	smov.u32 s26;
	s26 =	sadd.s32 $0x1, s26  }
0x181: {  	[tilespmem:s22+$0xFFFFFFE0] =	vst v3  }
0x182: {  	v7 =	vld [tilespmem:s28+$0xFFFFFFF0];
	[tilespmem:s22+$0xFFFFFFF0] =	vst v5  }
0x183: {  	v5 =	vld [tilespmem:s28+$0x10];
	[tilespmem:s22+$0x0] =	vst v4;
	s22 =	smov.u32 s28  }
0x184: {  	v4 =	vld.idx.msk [tilespmem:v2+s12+$0x0], $0xffff  }
0x185: {  	v2 =	vld [tilespmem:s28+$0xFFFFFFE0]  }
0x186: {  	v8 =	vld [tilespmem:s28+$0x0]  }
.Ltmp9:
0x187: {  	(pc) =	sbr.rel @p0 .LBB2_12-.Ltmp9, $3  }
0x188: {  	_ =	sdelay $0x1  }
0x189: {  	v6 =	vmul.f32 v5, v4;
	v3 =	vmul.f32 v2, v4  }
0x18a: {  	v5 =	vmul.f32 v7, v4;
	v2 =	vmov s31;
	v4 =	vmul.f32 v8, v4  }
0x18b: {  	[tilespmem:s22+$0x10] =	vst v6  }
0x18c: {  	s26 =	sadd.s32 $0x40, s28;
	[tilespmem:s22+$0xFFFFFFE0] =	vst v3  }
0x18d: {  	v3 =	vld [tilespmem:s26+$0xFFFFFFF0];
	[tilespmem:s22+$0xFFFFFFF0] =	vst v5  }
0x18e: {  	v5 =	vld [tilespmem:s26+$0x10];
	[tilespmem:s22+$0x0] =	vst v4  }
0x18f: {  	v2 =	vld.idx.msk [tilespmem:v2+s12+$0x0], $0xffff  }
0x190: {  	v4 =	vld [tilespmem:s26+$0xFFFFFFE0];
	_ =	sdelay $0x1  }
0x191: {  	v6 =	vld [tilespmem:s26+$0x0];
	_ =	sdelay $0x1  }
0x192: {  	v5 =	vmul.f32 v5, v2  }
0x193: {  	v4 =	vmul.f32 v4, v2  }
0x194: {  	v3 =	vmul.f32 v3, v2;
	[tilespmem:s26+$0x10] =	vst v5  }
0x195: {  	v2 =	vmul.f32 v6, v2;
	[tilespmem:s26+$0xFFFFFFE0] =	vst v4  }
0x196: {  	[tilespmem:s26+$0xFFFFFFF0] =	vst v3  }
0x197: {  	[tilespmem:s26+$0x0] =	vst v2  }
.LBB2_14:
0x198: {  	s22 =	sadd.s32 s7, s25  }
0x199: {  	s22 =	sshll.u32 s22, $0x3  }
0x19a: {  	s22 =	sand.u32 $0x1FFFFE00, s22  }
0x19b: {  	s22 =	sadd.s32 s5, s22  }
0x19c: {  	[hbm4b:s22+s24] =	stream.linear.scatter [tilespmem:s4], [sflag:$0x5], $0x2800, $0x38;
	[tilespmem:$0x1DBA0] =	vst v63  }
0x19d: {  	_ =	swait.ge [sflag:s18], $0x2800  }
0x19e: {  	[sflag:s18] =	ssyncset.done $0x0  }
0x19f: {  	[sflag:s18] =	ssyncadd.s32 $0xFFFFD800  }
0x1a0: {  	[tilespmem:s14], [sflag:$0x2] =	stream.indirect.gather [hbm4b:s8+s30], $0x40, s13, s30, $0xb8;
	[tilespmem:$0x1DBA0] =	vst v63  }
0x1a1: {  	_ =	swait.ge [sflag:s29], $0xA0  }
0x1a2: {  	[sflag:s29] =	ssyncset.done $0x0  }
0x1a3: {  	[sflag:s29] =	ssyncadd.s32 $0xFFFFFF60  }
0x1a4: {  	_ =	swait.ge [sflag:s29], $0xA0  }
0x1a5: {  	[sflag:s29] =	ssyncset.done $0x0  }
0x1a6: {  	[sflag:s29] =	ssyncadd.s32 $0xFFFFFF60  }
0x1a7: {  	v2 =	vld [tilespmem:$0x186A0];
	_ =	sdelay $0x5  }
0x1a8: {  	v3 =	vld [tilespmem:$0x187E0]  }
0x1a9: {  	v4 =	vld [tilespmem:$0x186B0]  }
0x1aa: {  	v2 =	vld.idx.msk [tilespmem:v2+s24+$0x0], $0xffff;
	_ =	sdelay $0x3  }
0x1ab: {  	vm0 =	veq.s32 v3, $0x0  }
0x1ac: {  	v3 =	vld [tilespmem:$0x187F0];
	[tilespmem:$0x18920] =	vst v2;
	v2 =	vsel vm0, $0x0, v0  }
0x1ad: {  	[tilespmem:$0x18A60] =	vst v2;
	v2 =	vld [tilespmem:$0x186C0];
	_ =	sdelay $0x1  }
0x1ae: {  	v4 =	vld.idx.msk [tilespmem:v4+s24+$0x0], $0xffff;
	_ =	sdelay $0x1  }
0x1af: {  	vm1 =	veq.s32 v3, $0x0  }
0x1b0: {  	v3 =	vsel vm1, $0x0, v0  }
0x1b1: {  	v48 =	vld [tilespmem:$0x18800];
	[tilespmem:$0x18A70] =	vst v3  }
0x1b2: {  	v3 =	vld [tilespmem:$0x186D0];
	[tilespmem:$0x18930] =	vst v4  }
0x1b3: {  	v2 =	vld.idx.msk [tilespmem:v2+s24+$0x0], $0xffff;
	_ =	sdelay $0x3  }
0x1b4: {  	vm2 =	veq.s32 v48, $0x0  }
0x1b5: {  	v49 =	vld [tilespmem:$0x18810];
	[tilespmem:$0x18940] =	vst v2;
	v2 =	vsel vm2, $0x0, v0  }
0x1b6: {  	[tilespmem:$0x18A80] =	vst v2;
	v2 =	vld [tilespmem:$0x186E0]  }
0x1b7: {  	v3 =	vld.idx.msk [tilespmem:v3+s24+$0x0], $0xffff;
	_ =	sdelay $0x3  }
0x1b8: {  	vm3 =	veq.s32 v49, $0x0  }
0x1b9: {  	v50 =	vld [tilespmem:$0x18820];
	[tilespmem:$0x18950] =	vst v3;
	v3 =	vsel vm3, $0x0, v0  }
0x1ba: {  	[tilespmem:$0x18A90] =	vst v3;
	v3 =	vld [tilespmem:$0x186F0]  }
0x1bb: {  	v2 =	vld.idx.msk [tilespmem:v2+s24+$0x0], $0xffff;
	_ =	sdelay $0x3  }
0x1bc: {  	vm4 =	veq.s32 v50, $0x0  }
0x1bd: {  	v51 =	vld [tilespmem:$0x18830];
	[tilespmem:$0x18960] =	vst v2;
	v2 =	vsel vm4, $0x0, v0  }
0x1be: {  	[tilespmem:$0x18AA0] =	vst v2;
	v2 =	vld [tilespmem:$0x18700]  }
0x1bf: {  	v3 =	vld.idx.msk [tilespmem:v3+s24+$0x0], $0xffff;
	_ =	sdelay $0x1  }
0x1c0: {  	v5 =	vld [tilespmem:$0x18840]  }
0x1c1: {  	v6 =	vld [tilespmem:$0x18710]  }
0x1c2: {  	v52 =	vld [tilespmem:$0x18850];
	vm11 =	veq.s32 v51, $0x0;
	v7 =	vsel vm0, $0x1, v1;
	v8 =	vsel vm1, $0x1, v1  }
0x1c3: {  	v9 =	vld [tilespmem:$0x18860];
	v53 =	vsel vm2, $0x1, v1;
	v7 =	vadd.s32 v8, v7;
	[tilespmem:$0x18970] =	vst v3;
	v3 =	vsel vm11, $0x0, v0  }
0x1c4: {  	v54 =	vsel vm3, $0x1, v1;
	v7 =	vadd.s32 v53, v7;
	[tilespmem:$0x18AB0] =	vst v3;
	v3 =	vld [tilespmem:$0x18870]  }
0x1c5: {  	v55 =	vsel vm4, $0x1, v1;
	v7 =	vadd.s32 v54, v7;
	v2 =	vld.idx.msk [tilespmem:v2+s24+$0x0], $0xffff  }
0x1c6: {  	vm12 =	veq.s32 v5, $0x0;
	v56 =	vsel vm11, $0x1, v1;
	v7 =	vadd.s32 v55, v7  }
0x1c7: {  	vm13 =	veq.s32 v52, $0x0;
	v57 =	vsel vm12, $0x1, v1;
	v5 =	vadd.s32 v56, v7  }
0x1c8: {  	vm14 =	veq.s32 v9, $0x0;
	v58 =	vsel vm13, $0x1, v1;
	v4 =	vadd.s32 v57, v5  }
0x1c9: {  	v59 =	vsel vm14, $0x1, v1;
	v4 =	vadd.s32 v58, v4;
	vm15 =	veq.s32 v3, $0x0  }
0x1ca: {  	[tilespmem:$0x18980] =	vst v2;
	v2 =	vadd.s32 v59, v4;
	v60 =	vsel vm15, $0x1, v1  }
0x1cb: {  	v3 =	vsel vm12, $0x0, v0;
	v2 =	vadd.s32 v60, v2  }
0x1cc: {  	[tilespmem:$0x18AC0] =	vst v3;
	v3 =	vld [tilespmem:$0x18720];
	(xrf0) =	vadd.scan.msk.s32 $0xffff, v2  }
0x1cd: {  	v2 =	vld.idx.msk [tilespmem:v6+s24+$0x0], $0xffff;
	_ =	sdelay $0x4  }
0x1ce: {  	v61 =	vsel vm13, $0x0, v0;
	[tilespmem:$0x18990] =	vst v2;
	v2 =	vld [tilespmem:$0x18730];
	v62, _, _ =	vpop (xrf0)  }
0x1cf: {  	[tilespmem:$0x18AD0] =	vst v61;
	(v2sf) =	vpush v62, $0xF  }
0x1d0: {  	v3 =	vld.idx.msk [tilespmem:v3+s24+$0x0], $0xffff;
	_ =	sdelay $0x2  }
0x1d1: {  	v63 =	vsel vm14, $0x0, v0  }
0x1d2: {  	[tilespmem:$0x18AE0] =	vst v63  }
0x1d3: {  	[tilespmem:$0x189A0] =	vst v3  }
0x1d4: {  	v2 =	vld.idx.msk [tilespmem:v2+s24+$0x0], $0xffff;
	_ =	sdelay $0x3  }
0x1d5: {  	s28 =	sadd.s32 s25, s21  }
0x1d6: {  	s31 =	simm.s32 $0x18880;
	s26 =	sshrl.u32 s28, $0x3;
	[tilespmem:$0x189B0] =	vst v2;
	v2 =	vsel vm15, $0x0, v0  }
0x1d7: {  	p0 =	slt.s32 s19, $0x1;
	s28 =	simm.s32 $0x18740;
	s22 =	sadd.s32 s2, s26;
	[tilespmem:$0x18AF0] =	vst v2  }
0x1d8: {  	[tilespmem:s28], [sflag:$0x4] =	stream.linear.gather [hbm4b:s22+s24], $0xA0, $0x38;
	[tilespmem:$0x1DBA0] =	vst v63  }
.Ltmp10:
0x1d9: {  	s26 =	sadd.s32 s0, s26;
	s22 =	spop (v2sf);
	(pc) =	sbr.rel @p0 .LBB2_18-.Ltmp10, $4  }
0x1da: {  	[tilespmem:s31], [sflag:$0x4] =	stream.linear.gather [hbm4b:s26+s24], $0xA0, $0x38;
	[tilespmem:$0x1DBA0] =	vst v63  }
0x1db: {  	_ =	swait.ge [sflag:s15], $0x2800  }
0x1dc: {  	[sflag:s15] =	ssyncset.done $0x0  }
0x1dd: {  	s19 =	simm.s32 $0x1B3C0;
	[sflag:s15] =	ssyncadd.s32 $0xFFFFD800  }
0x1de: {  	v2 =	vmov s24;
	_ =	sdelay $0x2  }
0x1df: {  	v4 =	vld [tilespmem:s19+$0xFFFFFFF0]  }
0x1e0: {  	v5 =	vld [tilespmem:s19+$0x10]  }
0x1e1: {  	v7 =	vld.idx.msk [tilespmem:v2+s16+$0x0], $0xffff  }
0x1e2: {  	v2 =	vld [tilespmem:s19+$0xFFFFFFE0]  }
0x1e3: {  	v8 =	vld [tilespmem:s19+$0x0];
	_ =	sdelay $0x3  }
0x1e4: {  	s26 =	simm.s32 $0x1;
	v3 =	vmul.f32 v2, v7;
	v6 =	vmul.f32 v5, v7  }
0x1e5: {  	s24 =	simm.s32 $0x2;
	v2 =	vmov s26;
	v5 =	vmul.f32 v4, v7;
	v4 =	vmul.f32 v8, v7;
	s26 =	simm.s32 $0x1B3C0  }
.LBB2_16:
0x1e6: {  	p0 =	sne.s32 s24, $0x9F  }
0x1e7: {  	[tilespmem:s19+$0x10] =	vst v6;
	s26 =	sadd.s32 $0x40, s26;
	s28 =	smov.u32 s24;
	s24 =	sadd.s32 $0x1, s24  }
0x1e8: {  	[tilespmem:s19+$0xFFFFFFE0] =	vst v3  }
0x1e9: {  	v7 =	vld [tilespmem:s26+$0xFFFFFFF0];
	[tilespmem:s19+$0xFFFFFFF0] =	vst v5  }
0x1ea: {  	v5 =	vld [tilespmem:s26+$0x10];
	[tilespmem:s19+$0x0] =	vst v4;
	s19 =	smov.u32 s26  }
0x1eb: {  	v4 =	vld.idx.msk [tilespmem:v2+s16+$0x0], $0xffff  }
0x1ec: {  	v2 =	vld [tilespmem:s26+$0xFFFFFFE0]  }
0x1ed: {  	v8 =	vld [tilespmem:s26+$0x0]  }
.Ltmp11:
0x1ee: {  	(pc) =	sbr.rel @p0 .LBB2_16-.Ltmp11, $3  }
0x1ef: {  	_ =	sdelay $0x1  }
0x1f0: {  	v6 =	vmul.f32 v5, v4;
	v3 =	vmul.f32 v2, v4  }
0x1f1: {  	v5 =	vmul.f32 v7, v4;
	v2 =	vmov s28;
	v4 =	vmul.f32 v8, v4  }
0x1f2: {  	[tilespmem:s19+$0x10] =	vst v6  }
0x1f3: {  	s24 =	sadd.s32 $0x40, s26;
	[tilespmem:s19+$0xFFFFFFE0] =	vst v3  }
0x1f4: {  	v3 =	vld [tilespmem:s24+$0xFFFFFFF0];
	[tilespmem:s19+$0xFFFFFFF0] =	vst v5  }
0x1f5: {  	v5 =	vld [tilespmem:s24+$0x10];
	[tilespmem:s19+$0x0] =	vst v4  }
0x1f6: {  	v2 =	vld.idx.msk [tilespmem:v2+s16+$0x0], $0xffff  }
0x1f7: {  	v4 =	vld [tilespmem:s24+$0xFFFFFFE0];
	_ =	sdelay $0x1  }
0x1f8: {  	v6 =	vld [tilespmem:s24+$0x0];
	_ =	sdelay $0x1  }
0x1f9: {  	v5 =	vmul.f32 v5, v2  }
.Ltmp12:
0x1fa: {  	v4 =	vmul.f32 v4, v2;
	(pc) =	sbr.rel .LBB2_18-.Ltmp12, $4  }
0x1fb: {  	v3 =	vmul.f32 v3, v2;
	[tilespmem:s24+$0x10] =	vst v5  }
0x1fc: {  	v2 =	vmul.f32 v6, v2;
	[tilespmem:s24+$0xFFFFFFE0] =	vst v4  }
0x1fd: {  	[tilespmem:s24+$0xFFFFFFF0] =	vst v3  }
0x1fe: {  	[tilespmem:s24+$0x0] =	vst v2  }
.LBB2_19:
0x1ff: {  	_ =	swait.ge [sflag:s10], $0xA0  }
0x200: {  	[sflag:s10] =	ssyncset.done $0x0  }
0x201: {  	[sflag:s10] =	ssyncadd.s32 $0xFFFFFF60  }
0x202: {  	_ =	swait.ge [sflag:s10], $0xA0  }
0x203: {  	[sflag:s10] =	ssyncset.done $0x0  }
0x204: {  	[sflag:s10] =	ssyncadd.s32 $0xFFFFFF60  }
0x205: {  	v2 =	vld [tilespmem:$0x18740];
	_ =	sdelay $0x5  }
0x206: {  	v3 =	vld [tilespmem:$0x18880]  }
0x207: {  	s19 =	simm.s32 $0x0;
	v4 =	vld [tilespmem:$0x18750]  }
0x208: {  	v2 =	vld.idx.msk [tilespmem:v2+s19+$0x0], $0xffff;
	_ =	sdelay $0x3  }
0x209: {  	vm0 =	veq.s32 v3, $0x0  }
0x20a: {  	v3 =	vld [tilespmem:$0x18890];
	[tilespmem:$0x189C0] =	vst v2;
	v2 =	vsel vm0, $0x0, v0  }
0x20b: {  	[tilespmem:$0x18B00] =	vst v2;
	v2 =	vld [tilespmem:$0x18760];
	_ =	sdelay $0x1  }
0x20c: {  	v4 =	vld.idx.msk [tilespmem:v4+s19+$0x0], $0xffff;
	_ =	sdelay $0x1  }
0x20d: {  	vm1 =	veq.s32 v3, $0x0  }
0x20e: {  	v3 =	vsel vm1, $0x0, v0  }
0x20f: {  	v47 =	vld [tilespmem:$0x188A0];
	[tilespmem:$0x18B10] =	vst v3  }
0x210: {  	v3 =	vld [tilespmem:$0x18770];
	[tilespmem:$0x189D0] =	vst v4  }
0x211: {  	v2 =	vld.idx.msk [tilespmem:v2+s19+$0x0], $0xffff;
	_ =	sdelay $0x3  }
0x212: {  	vm2 =	veq.s32 v47, $0x0  }
0x213: {  	v48 =	vld [tilespmem:$0x188B0];
	[tilespmem:$0x189E0] =	vst v2;
	v2 =	vsel vm2, $0x0, v0  }
0x214: {  	[tilespmem:$0x18B20] =	vst v2;
	v2 =	vld [tilespmem:$0x18780]  }
0x215: {  	v3 =	vld.idx.msk [tilespmem:v3+s19+$0x0], $0xffff;
	_ =	sdelay $0x3  }
0x216: {  	vm3 =	veq.s32 v48, $0x0  }
0x217: {  	v49 =	vld [tilespmem:$0x188C0];
	[tilespmem:$0x189F0] =	vst v3;
	v3 =	vsel vm3, $0x0, v0  }
0x218: {  	[tilespmem:$0x18B30] =	vst v3;
	v3 =	vld [tilespmem:$0x18790]  }
0x219: {  	v2 =	vld.idx.msk [tilespmem:v2+s19+$0x0], $0xffff;
	_ =	sdelay $0x3  }
0x21a: {  	vm4 =	veq.s32 v49, $0x0  }
0x21b: {  	v50 =	vld [tilespmem:$0x188D0];
	[tilespmem:$0x18A00] =	vst v2;
	v2 =	vsel vm4, $0x0, v0  }
0x21c: {  	v5 =	vld [tilespmem:$0x188E0];
	[tilespmem:$0x18B40] =	vst v2  }
0x21d: {  	v3 =	vld.idx.msk [tilespmem:v3+s19+$0x0], $0xffff  }
0x21e: {  	v2 =	vld [tilespmem:$0x187A0]  }
0x21f: {  	v8 =	vld [tilespmem:$0x188F0];
	v6 =	vsel vm0, $0x1, v1;
	v7 =	vsel vm1, $0x1, v1  }
0x220: {  	v9 =	vld [tilespmem:$0x18900];
	v51 =	vsel vm2, $0x1, v1;
	v6 =	vadd.s32 v7, v6  }
0x221: {  	v53 =	vld [tilespmem:$0x18910];
	vm11 =	veq.s32 v50, $0x0;
	v52 =	vsel vm3, $0x1, v1;
	v6 =	vadd.s32 v51, v6  }
0x222: {  	v54 =	vsel vm4, $0x1, v1;
	v6 =	vadd.s32 v52, v6;
	[tilespmem:$0x18A10] =	vst v3;
	v3 =	vsel vm11, $0x0, v0  }
0x223: {  	vm12 =	veq.s32 v5, $0x0;
	v6 =	vadd.s32 v54, v6;
	[tilespmem:$0x18B50] =	vst v3;
	v3 =	vsel vm11, $0x1, v1  }
0x224: {  	v55 =	vld [tilespmem:$0x187B0];
	vm13 =	veq.s32 v8, $0x0;
	v56 =	vsel vm12, $0x1, v1;
	v3 =	vadd.s32 v3, v6  }
0x225: {  	vm14 =	veq.s32 v9, $0x0;
	v57 =	vsel vm13, $0x1, v1;
	v3 =	vadd.s32 v56, v3  }
0x226: {  	vm15 =	veq.s32 v53, $0x0;
	v58 =	vsel vm14, $0x1, v1;
	v2 =	vld.idx.msk [tilespmem:v2+s19+$0x0], $0xffff;
	v3 =	vadd.s32 v57, v3  }
0x227: {  	v59 =	vsel vm15, $0x1, v1;
	v3 =	vadd.s32 v58, v3  }
0x228: {  	v3 =	vadd.s32 v59, v3  }
0x229: {  	v60 =	vsel vm12, $0x0, v0;
	(xrf0) =	vadd.scan.msk.s32 $0xffff, v3  }
0x22a: {  	[tilespmem:$0x18B60] =	vst v60  }
0x22b: {  	[tilespmem:$0x18A20] =	vst v2;
	v2 =	vld [tilespmem:$0x187C0]  }
0x22c: {  	v3 =	vld.idx.msk [tilespmem:v55+s19+$0x0], $0xffff;
	_ =	sdelay $0x2  }
0x22d: {  	v61, _, _ =	vpop (xrf0)  }
0x22e: {  	(v2sf) =	vpush v61, $0xF  }
0x22f: {  	v62 =	vsel vm13, $0x0, v0;
	[tilespmem:$0x18A30] =	vst v3;
	v3 =	vld [tilespmem:$0x187D0]  }
0x230: {  	[tilespmem:$0x18B70] =	vst v62  }
0x231: {  	v2 =	vld.idx.msk [tilespmem:v2+s19+$0x0], $0xffff;
	_ =	sdelay $0x2  }
0x232: {  	v63 =	vsel vm14, $0x0, v0  }
0x233: {  	[tilespmem:$0x18B80] =	vst v63  }
0x234: {  	[tilespmem:$0x18A40] =	vst v2  }
0x235: {  	v2 =	vld.idx.msk [tilespmem:v3+s19+$0x0], $0xffff;
	_ =	sdelay $0x3  }
0x236: {  	p0 =	slt.s32 s22, $0x1  }
.Ltmp13:
0x237: {  	[tilespmem:$0x18A50] =	vst v2;
	v2 =	vsel vm15, $0x0, v0;
	(pc) =	sbr.rel @p0 .LBB2_23-.Ltmp13, $4  }
0x238: {  	[tilespmem:$0x18B90] =	vst v2;
	s23 =	spop (v2sf)  }
0x239: {  	_ =	swait.ge [sflag:s11], $0x2800  }
0x23a: {  	[sflag:s11] =	ssyncset.done $0x0  }
0x23b: {  	s22 =	simm.s32 $0x18BC0;
	s1 =	rddreg [dreg:$0x13];
	[sflag:s11] =	ssyncadd.s32 $0xFFFFD800  }
0x23c: {  	v2 =	vmov s19;
	_ =	sdelay $0x2  }
0x23d: {  	v4 =	vld [tilespmem:s22+$0xFFFFFFF0]  }
0x23e: {  	v5 =	vld [tilespmem:s22+$0x10]  }
0x23f: {  	v7 =	vld.idx.msk [tilespmem:v2+s12+$0x0], $0xffff  }
0x240: {  	v2 =	vld [tilespmem:s22+$0xFFFFFFE0]  }
0x241: {  	v8 =	vld [tilespmem:s22+$0x0];
	_ =	sdelay $0x3  }
0x242: {  	s25 =	simm.s32 $0x1;
	v3 =	vmul.f32 v2, v7;
	v6 =	vmul.f32 v5, v7  }
0x243: {  	s24 =	simm.s32 $0x2;
	v2 =	vmov s25;
	v5 =	vmul.f32 v4, v7;
	v4 =	vmul.f32 v8, v7;
	s25 =	simm.s32 $0x18BC0  }
.LBB2_21:
0x244: {  	p0 =	sne.s32 s24, $0x9F  }
0x245: {  	[tilespmem:s22+$0x10] =	vst v6;
	s25 =	sadd.s32 $0x40, s25;
	s26 =	smov.u32 s24;
	s24 =	sadd.s32 $0x1, s24  }
0x246: {  	[tilespmem:s22+$0xFFFFFFE0] =	vst v3  }
0x247: {  	v7 =	vld [tilespmem:s25+$0xFFFFFFF0];
	[tilespmem:s22+$0xFFFFFFF0] =	vst v5  }
0x248: {  	v5 =	vld [tilespmem:s25+$0x10];
	[tilespmem:s22+$0x0] =	vst v4;
	s22 =	smov.u32 s25  }
0x249: {  	v4 =	vld.idx.msk [tilespmem:v2+s12+$0x0], $0xffff  }
0x24a: {  	v2 =	vld [tilespmem:s25+$0xFFFFFFE0]  }
0x24b: {  	v8 =	vld [tilespmem:s25+$0x0]  }
.Ltmp14:
0x24c: {  	(pc) =	sbr.rel @p0 .LBB2_21-.Ltmp14, $3  }
0x24d: {  	_ =	sdelay $0x1  }
0x24e: {  	v6 =	vmul.f32 v5, v4;
	v3 =	vmul.f32 v2, v4  }
0x24f: {  	v5 =	vmul.f32 v7, v4;
	v2 =	vmov s26;
	v4 =	vmul.f32 v8, v4  }
0x250: {  	[tilespmem:s22+$0x10] =	vst v6  }
0x251: {  	s24 =	sadd.s32 $0x40, s25;
	[tilespmem:s22+$0xFFFFFFE0] =	vst v3  }
0x252: {  	v3 =	vld [tilespmem:s24+$0xFFFFFFF0];
	[tilespmem:s22+$0xFFFFFFF0] =	vst v5  }
0x253: {  	v5 =	vld [tilespmem:s24+$0x10];
	[tilespmem:s22+$0x0] =	vst v4  }
0x254: {  	v2 =	vld.idx.msk [tilespmem:v2+s12+$0x0], $0xffff  }
0x255: {  	v4 =	vld [tilespmem:s24+$0xFFFFFFE0];
	_ =	sdelay $0x1  }
0x256: {  	v6 =	vld [tilespmem:s24+$0x0];
	_ =	sdelay $0x1  }
0x257: {  	v5 =	vmul.f32 v5, v2  }
0x258: {  	v4 =	vmul.f32 v4, v2  }
0x259: {  	v3 =	vmul.f32 v3, v2;
	[tilespmem:s24+$0x10] =	vst v5  }
0x25a: {  	v2 =	vmul.f32 v6, v2;
	[tilespmem:s24+$0xFFFFFFE0] =	vst v4  }
0x25b: {  	[tilespmem:s24+$0xFFFFFFF0] =	vst v3  }
0x25c: {  	[tilespmem:s24+$0x0] =	vst v2  }
.LBB2_23:
0x25d: {  	s22 =	rddreg [dreg:$0x10]  }
0x25e: {  	[hbm4b:s22+s19] =	stream.linear.scatter [tilespmem:s4], [sflag:$0x5], $0x2800, $0x38;
	[tilespmem:$0x1DBA0] =	vst v63  }
0x25f: {  	_ =	swait.ge [sflag:s18], $0x2800  }
0x260: {  	p0 =	slt.s32 s23, $0x1;
	[sflag:s18] =	ssyncset.done $0x0  }
.Ltmp15:
0x261: {  	[sflag:s18] =	ssyncadd.s32 $0xFFFFD800;
	(pc) =	sbr.rel @p0 .LBB2_27-.Ltmp15, $4  }
0x262: {  	[tilespmem:s14], [sflag:$0x2] =	stream.indirect.gather [hbm4b:s8+s30], $0x40, s13, s30, $0xb8;
	[tilespmem:$0x1DBA0] =	vst v63  }
0x263: {  	_ =	swait.ge [sflag:s15], $0x2800  }
0x264: {  	[sflag:s15] =	ssyncset.done $0x0  }
0x265: {  	s22 =	simm.s32 $0x1B3C0;
	[sflag:s15] =	ssyncadd.s32 $0xFFFFD800  }
0x266: {  	v2 =	vmov s19;
	_ =	sdelay $0x2  }
0x267: {  	v4 =	vld [tilespmem:s22+$0xFFFFFFF0]  }
0x268: {  	v5 =	vld [tilespmem:s22+$0x10]  }
0x269: {  	v7 =	vld.idx.msk [tilespmem:v2+s16+$0x0], $0xffff  }
0x26a: {  	v2 =	vld [tilespmem:s22+$0xFFFFFFE0]  }
0x26b: {  	v8 =	vld [tilespmem:s22+$0x0];
	_ =	sdelay $0x3  }
0x26c: {  	s23 =	simm.s32 $0x1;
	v3 =	vmul.f32 v2, v7;
	v6 =	vmul.f32 v5, v7  }
0x26d: {  	s19 =	simm.s32 $0x2;
	v2 =	vmov s23;
	v5 =	vmul.f32 v4, v7;
	v4 =	vmul.f32 v8, v7;
	s23 =	simm.s32 $0x1B3C0  }
.LBB2_25:
0x26e: {  	p0 =	sne.s32 s19, $0x9F  }
0x26f: {  	[tilespmem:s22+$0x10] =	vst v6;
	s23 =	sadd.s32 $0x40, s23;
	s24 =	smov.u32 s19;
	s19 =	sadd.s32 $0x1, s19  }
0x270: {  	[tilespmem:s22+$0xFFFFFFE0] =	vst v3  }
0x271: {  	v7 =	vld [tilespmem:s23+$0xFFFFFFF0];
	[tilespmem:s22+$0xFFFFFFF0] =	vst v5  }
0x272: {  	v5 =	vld [tilespmem:s23+$0x10];
	[tilespmem:s22+$0x0] =	vst v4;
	s22 =	smov.u32 s23  }
0x273: {  	v4 =	vld.idx.msk [tilespmem:v2+s16+$0x0], $0xffff  }
0x274: {  	v2 =	vld [tilespmem:s23+$0xFFFFFFE0]  }
0x275: {  	v8 =	vld [tilespmem:s23+$0x0]  }
.Ltmp16:
0x276: {  	(pc) =	sbr.rel @p0 .LBB2_25-.Ltmp16, $3  }
0x277: {  	_ =	sdelay $0x1  }
0x278: {  	v6 =	vmul.f32 v5, v4;
	v3 =	vmul.f32 v2, v4  }
0x279: {  	v5 =	vmul.f32 v7, v4;
	v2 =	vmov s24;
	v4 =	vmul.f32 v8, v4  }
0x27a: {  	[tilespmem:s22+$0x10] =	vst v6  }
0x27b: {  	s19 =	sadd.s32 $0x40, s23;
	[tilespmem:s22+$0xFFFFFFE0] =	vst v3  }
0x27c: {  	v3 =	vld [tilespmem:s19+$0xFFFFFFF0];
	[tilespmem:s22+$0xFFFFFFF0] =	vst v5  }
0x27d: {  	v5 =	vld [tilespmem:s19+$0x10];
	[tilespmem:s22+$0x0] =	vst v4  }
0x27e: {  	v2 =	vld.idx.msk [tilespmem:v2+s16+$0x0], $0xffff  }
0x27f: {  	v4 =	vld [tilespmem:s19+$0xFFFFFFE0];
	_ =	sdelay $0x1  }
0x280: {  	v6 =	vld [tilespmem:s19+$0x0];
	_ =	sdelay $0x1  }
0x281: {  	v5 =	vmul.f32 v5, v2  }
.Ltmp17:
0x282: {  	v4 =	vmul.f32 v4, v2;
	(pc) =	sbr.rel .LBB2_27-.Ltmp17, $4  }
0x283: {  	v3 =	vmul.f32 v3, v2;
	[tilespmem:s19+$0x10] =	vst v5  }
0x284: {  	v2 =	vmul.f32 v6, v2;
	[tilespmem:s19+$0xFFFFFFE0] =	vst v4  }
0x285: {  	[tilespmem:s19+$0xFFFFFFF0] =	vst v3  }
0x286: {  	[tilespmem:s19+$0x0] =	vst v2  }
.LBB2_28:
0x287: {  	_ =	sfence.sel $0x180000  }
0x288: {  	[bflag:$0x0] =	sbarrier.arrive $0xFFFF  }
0x289: {  	_ =	strace $0x90000047  }
0x28a: {  	s0 =	stileid.u32;
	[bflag:$0x2] =	sbarrier.arrive $0xFFFF  }
0x28b: {  	p0 =	sne.s32 s0, $0x0;
	s0 =	rddreg [dreg:$0x5]  }
0x28c: {  	s0 =	sadd.s32 @!p0 $0x100000, s0  }
0x28d: {  	[sflag:s0] =	ssyncadd.tile.s32 @!p0 $0x1;
	_ =	shalt  }
.Lfunc_end2:
_tile_overlayer_lowered:
.L_overlay_start_2:
0x28e: {  	(tag) =	ssettag $0x2  }
0x28f: {  	s0 =	rddreg [dreg:$0x0];
	s2 =	stileid.u32  }
0x290: {  	s1 =	rddreg [dreg:$0x1];
	p0 =	sne.s32 s2, $0x0  }
0x291: {  	s3 =	rddreg [dreg:$0x2];
	[bflag:$0x3] =	sbarrier.arrive $0xFFFF;
	s2 =	simm.s32 @!p0 $0x1C07  }
0x292: {  	[timem:s3], [sflag:s2] =	dma.local @!p0 [hbm:s0], s1  }
0x293: {  	s0 =	simm.s32 @!p0 $0x7  }
0x294: {  	_ =	swait.ge @!p0 [sflag:s0], s1  }
0x295: {  	s1 =	ssub.s32 @!p0 $0x0, s1;
	[sflag:s0] =	ssyncset.done @!p0 $0x0  }
0x296: {  	[sflag:s0] =	ssyncadd.s32 @!p0 s1  }
0x297: {  	[bflag:$0x3] =	sbarrier.arrive $0xFFFF  }
0x298: {  	_ =	shalt  }

// kernel: sparse-core-data-format-call.cloned.1.call-start
scs
called_computation_lowered:
.L_overlay_start_0:
0x0: {  	s2 =	sld [smem:$0x3FD9]  }
0x1: {  	s3 =	sld [smem:$0x3FFE];
	_ =	sdelay $0x1  }
0x2: {  	s1 =	srdreg.scid  }
0x3: {  	s0 =	sand.u32 $0x1, s1  }
0x4: {  	s18 =	sshll.u32 s0, $0xA;
	s2 =	sadd.s32 s3, s2  }
0x5: {  	s2 =	sadd.s32 s2, s18  }
0x6: {  	[smem:$0x3FC4] =	sst s2  }
0x7: {  	_ = 	snop  }
0x8: {  	s2 =	sld [smem:$0x3FD0];
	(tm) =	ssettm $0x1  }
0x9: {  	s19 =	sld [smem:$0x3FFB];
	_ =	sdelay $0x3  }
0xa: {  	_ =	strace s19  }
0xb: {  	s3 =	sld [smem:$0x3FFC];
	_ =	sdelay $0x3  }
0xc: {  	_ =	strace s3  }
0xd: {  	s3 =	sld [smem:$0x3FFD];
	_ =	sdelay $0x3  }
0xe: {  	_ =	strace s3  }
0xf: {  	_ =	strace $0x8FFFFFFF  }
0x10: {  	s20 =	sld [smem:$0x3FDB];
	_ =	sdelay $0x1  }
0x11: {  	s4 =	simm.s32 $_scs_section_size  }
0x12: {  	s5 =	simm.s32 $_size__tile_overlayer_lowered;
	s6 =	simm.s32 $_tile_overlayer_lowered  }
0x13: {  	s23 =	simm.s32 $0x1BFF;
	s22 =	sshll.u32 s6, $0x1;
	s3 =	sadd.s32 s4, s20  }
0x14: {  	s7 =	simm.s32 $0x0;
	s21 =	sshll.u32 s5, $0x1;
	s5 =	sadd.s32 s22, s3  }
0x15: {  	[timem:s7], [sflag:s23] =	dma.local [hbm:s5], s21  }
0x16: {  	_ =	swait.ge [sflag:s23], s21  }
0x17: {  	s4 =	ssub.s32 $0x0, s21;
	[sflag:s23] =	ssyncset.done $0x0  }
0x18: {  	[sflag:s23] =	ssyncadd.s32 s4;
	_ =	sdelay $0x1  }
0x19: {  	s24 =	simm.s32 $0x1B8B  }
0x1a: {  	_ =	swait.ge [sflag:s24], $0x1  }
0x1b: {  	[sflag:s24] =	ssyncset.done $0x0  }
0x1c: {  	s26 =	simm.s32 $0x1B8E;
	s25 =	sld [smem:$0x3FFE];
	[sflag:s24] =	ssyncadd.s32 $0xFFFFFFFF  }
0x1d: {  	s27 =	simm.s32 $execute0_lowered;
	[smem:$0x3FD2] =	sst s26  }
0x1e: {  	s5 =	sshll.u32 s27, $0x1;
	_ =	strace $0x80000049;
	[dreg:$0x1] =	wrdreg $0xFFFFFFFF  }
0x1f: {  	s28 =	simm.s32 $_size_execute0_lowered;
	s3 =	sadd.s32 s3, s5;
	[dreg:$0x0] =	wrdreg $0x0  }
0x20: {  	s5 =	sshll.u32 s28, $0x1;
	[dreg:$0x2] =	wrdreg s3  }
0x21: {  	[dreg:$0x3] =	wrdreg s5  }
0x22: {  	[dreg:$0x4] =	wrdreg $0xC0  }
0x23: {  	_ =	task [dreg:s7], $0x5FFFF  }
0x24: {  	[dreg:$0x1] =	wrdreg $0xFFFFFFFF  }
0x25: {  	[dreg:$0x0] =	wrdreg $0x60  }
0x26: {  	[dreg:$0x2] =	wrdreg s25  }
0x27: {  	[dreg:$0x3] =	wrdreg s2  }
0x28: {  	[dreg:$0x4] =	wrdreg $0x9  }
0x29: {  	_ =	task.clear_ibuf [dreg:s7], $0x5FFFF;
	_ =	strace $0x90000049  }
0x2a: {  	s29 =	simm.s32 $0x9;
	_ =	strace $0x8000004B  }
0x2b: {  	_ =	swait.ge [sflag:s29], $0x1  }
0x2c: {  	[sflag:s29] =	ssyncadd.s32 $0xFFFFFFFF  }
0x2d: {  	_ =	strace $0x9000004B  }
0x2e: {  	_ =	sfence  }
0x2f: {  	s30 =	sld [smem:$0x0];
	_ =	sdelay $0x2  }
0x30: {  	s31 =	sshll.u32 s1, $0xD;
	s1 =	sshrl.u32 s1, $0x2  }
0x31: {  	s3 =	sand.u32 $0x4000, s31;
	s1 =	sadd.s32 s1, s30  }
0x32: {  	s0 =	sor.u32 s3, s0;
	s1 =	sshll.u32 s1, $0x11  }
0x33: {  	s0 =	sor.u32 s1, s0  }
0x34: {  	s0 =	sadd.s32 $0x8F2B, s0  }
0x35: {  	[sflag:s0] =	ssyncadd.remote.s32 $0x1  }
0x36: {  	_ =	sfence.sel $0xFFFF  }
0x37: {  	[dreg:$0x0] =	wrdreg $0xFFFFFFFF;
	(pc) =	sbr.abs _section_cstart, $3  }
0x38: {  	[dreg:$0x1] =	wrdreg $0xFFFFFFFF  }
0x39: {  	_ =	task.clear_ibuf [dreg:s7], $0x2FFFF;
	_ =	strace $0x9FFFFFFF  }
0x3a: {  	(tm) =	ssettm $0x7FFFFFFF  }
0x3b: {  	_ =	shalt  }
tec
execute0_lowered:
.L_overlay_start_1:
0x0: {  	(tag) =	ssettag $0x1  }
0x1: {  	s0 =	srdreg.scid  }
0x2: {  	s1 =	sshll.u32 s0, $0x4  }
0x3: {  	s4 =	rddreg [dreg:$0x0];
	s0 =	stileid.u32;
	s1 =	sand.u32 $0x10, s1  }
0x4: {  	s2 =	rddreg [dreg:$0x1];
	s7 =	simm.s32 $0x1;
	s1 =	sor.u32 s0, s1  }
0x5: {  	s8 =	simm.s32 $0x2;
	s11 =	simm.s32 $0x0;
	s3 =	sshll.u32 s1, $0x7  }
0x6: {  	s10 =	simm.s32 $0x0;
	s4 =	sadd.s32 $0x800, s4;
	s6 =	ssub.s32 $0xC8000, s3  }
.Ltmp0:
0x7: {  	s1 =	rddreg [dreg:$0x2];
	s5 =	sand.u32 $0xF80, s6;
	(pc) =	sbr.rel .LBB1_1-.Ltmp0, $4  }
0x8: {  	_ =	strace $0x8000004A;
	s9 =	smov.u32 s3;
	p0 =	sne.s32 s5, $0x0  }
0x9: {  	s6 =	sshrl.u32 s6, $0xC;
	s5 =	simm.s32 $0x1;
	s7 =	simm.s32 @!p0 $0x0  }
0xa: {  	[sflag:s5] =	ssyncpa.u1 $0x0;
	p0 =	por $0x0, $0x0;
	s6 =	sadd.s32 s7, s6  }
0xb: {  	[sflag:s8] =	ssyncpa.u1 $0x0;
	s8 =	simm.s32 $0x640000;
	s7 =	sadd.s32 $0x1, s6  }
.LBB1_4:
0xc: {  	s14 =	sshll.u32 s11, $0x3  }
0xd: {  	s30 =	sand.u32 $0x7F, s11;
	s15 =	sand.u32 $0xFFFFFC00, s14  }
0xe: {  	s11 =	sor.u32 s30, s15  }
0xf: {  	s15 =	smulhi.u32 $0x51EB851F, s11  }
0x10: {  	s14 =	smulhi.u32 $0x51EB851F, s14  }
0x11: {  	s15 =	sshrl.u32 s15, $0x12  }
0x12: {  	s14 =	sshrl.u32 s14, $0x12;
	s15 =	smul.u32 $0xC8000, s15  }
0x13: {  	s14 =	sand.u32 $0x3F, s14  }
0x14: {  	s14 =	smul.u32 $0x19000, s14;
	s11 =	ssub.s32 s11, s15  }
0x15: {  	[tilespmem:s13+$0x810 ss:$0x81] =	vst.msk $0xffff, v2;
	s15 =	sand.u32 $0x7, s11  }
0x16: {  	[tilespmem:s13+$0x1020 ss:$0x81] =	vst.msk $0xffff, v0;
	s14 =	sadd.s32 s2, s14;
	s11 =	sshrl.u32 s11, $0x3;
	s15 =	sshll.u32 s15, $0x12  }
0x17: {  	[tilespmem:s13+$0x0 ss:$0x81] =	vst.msk $0xffff, v1;
	s11 =	sadd.s32 s11, s14;
	s31 =	sor.u32 $0x400, s15  }
0x18: {  	[hbm4b:s11+s31] =	stream.strided.scatter [tilespmem:s12], [sflag:$0x2], $0x2000, s8, s31, $0x20;
	[tilespmem:$0x8080] =	vst v63  }
.LBB1_5:
0x19: {  	s13 =	sadd.s32 $0x1000, s9  }
0x1a: {  	p2 =	sgt.s32 s13, $0xC7FFF  }
0x1b: {  	s13 =	smov.u32 @p2 s3;
	p2 =	sne.s32 s10, s7  }
.Ltmp1:
0x1c: {  	p1 =	slt.u32 s10, $0x2;
	(pc) =	sbr.rel @!p2 .LBB1_6-.Ltmp1, $4  }
0x1d: {  	s12 =	simm.s32 @!p1 $0x2  }
0x1e: {  	s14 =	sadd.s32 $0x1, s10;
	_ =	swait.ge @!p1 [sflag:s12], $0x2000  }
0x1f: {  	s11 =	smov.u32 s9;
	p0 =	por !p0, !p0;
	[sflag:s12] =	ssyncset.done @!p1 $0x0  }
0x20: {  	s10 =	smov.u32 s14;
	s9 =	smov.u32 s13;
	[sflag:s12] =	ssyncadd.s32 @!p1 $0xFFFFE000  }
.LBB1_1:
0x21: {  	p1 =	sge.u32 s10, s6  }
0x22: {  	s12 =	sand.u32 @!p1 $0x1FFFFFF, s9  }
0x23: {  	s13 =	smulhi.u32 @!p1 $0x147AE15, s12;
	_ =	sdelay $0x1  }
0x24: {  	s13 =	sshrl.u32 @!p1 s13, $0xC  }
0x25: {  	s13 =	smul.u32 @!p1 $0xC8000, s13;
	_ =	sdelay $0x1  }
0x26: {  	s31 =	sadd.s32 $0xFFFFFFFF, s10;
	s14 =	sxor.u32 @!p1 $0xFFFFFFFF, s10;
	s12 =	ssub.s32 @!p1 s12, s13  }
0x27: {  	s15 =	simm.s32 @!p1 $0x80;
	s14 =	sshll.u32 @!p1 s14, $0xD;
	s12 =	sshll.u32 @!p1 s12, $0x4  }
0x28: {  	s13 =	sand.u32 @!p1 $0x2000, s14;
	s14 =	simm.s32 @!p1 $0x40;
	s12 =	sadd.s32 @!p1 s4, s12  }
0x29: {  	[tilespmem:s13], [sflag:$0x1] =	stream.strided.gather @!p1 [hbm4b:s12+s14], $0x2000, s15, s14, $0x38;
	[tilespmem:$0x8080] =	vst v63  }
0x2a: {  	p1 =	sge.u32 s31, s6  }
.Ltmp2:
0x2b: {  	_ = 	snop;
	(pc) =	sbr.rel @p1 .LBB1_5-.Ltmp2, $1  }
0x2c: {  	_ =	sdelay $0x3  }
0x2d: {  	s12 =	simm.s32 $0x1  }
0x2e: {  	_ =	swait.ge [sflag:s5], $0x2000;
	s12 =	simm.s32 @!p0 $0x0  }
0x2f: {  	[sflag:s5] =	ssyncset.done $0x0;
	s13 =	sshll.u32 s12, $0xD  }
0x30: {  	[sflag:s5] =	ssyncadd.s32 $0xFFFFE000;
	s16 =	sor.u32 $0x20, s13  }
0x31: {  	s12 =	smul.u32 $0x8100, s12;
	v3 =	vld [tilespmem:s16+$0x10]  }
0x32: {  	s30 =	sand.u32 $0x1, s10;
	v2 =	vld [tilespmem:s16+$0xFFFFFFF0]  }
0x33: {  	s13 =	smul.u32 $0x8100, s30;
	s12 =	sshrl.u32 s12, $0x2;
	v0 =	vld [tilespmem:s16+$0x0]  }
0x34: {  	v1 =	vld [tilespmem:s16+$0xFFFFFFE0];
	s14 =	sor.u32 $0x4000, s12  }
0x35: {  	s31 =	sshrl.u32 s13, $0x2;
	s13 =	sadd.s32 $0x0, s14  }
0x36: {  	s15 =	simm.s32 $0x4;
	s16 =	sadd.s32 $0x40, s16;
	s12 =	sor.u32 $0x4000, s31;
	[tilespmem:s13+$0x1830 ss:$0x81] =	vst.msk $0xffff, v3  }
.LBB1_3:
0x37: {  	v3 =	vld [tilespmem:s16+$0x10];
	p1 =	sne.s32 s15, $0x1FC;
	[tilespmem:s13+$0x810 ss:$0x81] =	vst.msk $0xffff, v2;
	s17 =	smov.u32 s15;
	s15 =	sadd.s32 $0x4, s15  }
.Ltmp3:
0x38: {  	v2 =	vld [tilespmem:s16+$0xFFFFFFF0];
	[tilespmem:s13+$0x1020 ss:$0x81] =	vst.msk $0xffff, v0;
	(pc) =	sbr.rel @p1 .LBB1_3-.Ltmp3, $4  }
0x39: {  	v0 =	vld [tilespmem:s16+$0x0];
	[tilespmem:s13+$0x0 ss:$0x81] =	vst.msk $0xffff, v1  }
0x3a: {  	s13 =	sshra.s32 s17, $0x2;
	v1 =	vld [tilespmem:s16+$0xFFFFFFE0]  }
0x3b: {  	s13 =	sadd.s32 s13, s14  }
0x3c: {  	s16 =	sadd.s32 $0x40, s16;
	[tilespmem:s13+$0x1830 ss:$0x81] =	vst.msk $0xffff, v3  }
.Ltmp4:
0x3d: {  	_ = 	snop;
	(pc) =	sbr.rel .LBB1_4-.Ltmp4, $1  }
0x3e: {  	_ =	sdelay $0x3  }
.LBB1_6:
0x3f: {  	_ =	sfence.sel $0x180000  }
0x40: {  	s2 =	simm.s32 $0x1;
	[bflag:$0x0] =	sbarrier.arrive $0xFFFF  }
0x41: {  	s31 =	simm.s32 $0x2;
	[sflag:s2] =	ssyncpa.u1 $0x1  }
0x42: {  	[sflag:s31] =	ssyncpa.u1 $0x1  }
0x43: {  	p0 =	sne.s32 s0, $0x0;
	_ =	strace $0x9000004A  }
0x44: {  	s0 =	sadd.s32 @!p0 $0x100000, s1;
	[bflag:$0x2] =	sbarrier.arrive $0xFFFF  }
0x45: {  	[sflag:s0] =	ssyncadd.tile.s32 @!p0 $0x1;
	_ =	shalt  }
.Lfunc_end1:
_tile_overlayer_lowered:
.L_overlay_start_2:
0x46: {  	(tag) =	ssettag $0x2  }
0x47: {  	s0 =	rddreg [dreg:$0x0];
	s2 =	stileid.u32  }
0x48: {  	s1 =	rddreg [dreg:$0x1];
	p0 =	sne.s32 s2, $0x0  }
0x49: {  	s3 =	rddreg [dreg:$0x2];
	[bflag:$0x3] =	sbarrier.arrive $0xFFFF;
	s2 =	simm.s32 @!p0 $0x1C01  }
0x4a: {  	[timem:s3], [sflag:s2] =	dma.local @!p0 [hbm:s0], s1  }
0x4b: {  	s0 =	simm.s32 @!p0 $0x1  }
0x4c: {  	_ =	swait.ge @!p0 [sflag:s0], s1  }
0x4d: {  	s1 =	ssub.s32 @!p0 $0x0, s1;
	[sflag:s0] =	ssyncset.done @!p0 $0x0  }
0x4e: {  	[sflag:s0] =	ssyncadd.s32 @!p0 s1  }
0x4f: {  	[bflag:$0x3] =	sbarrier.arrive $0xFFFF  }
0x50: {  	_ =	shalt  }

</sc_bundles>
